<compile_context>
chip_gen: v7x
topology: tpu7x:2x2x1
jax: 0.10.2.dev20260603
libtpu: 0.0.44.dev20260713+nightly
codegen_flags: <defaults>
</compile_context>

<pallas_src>
import jax
import jax.numpy as jnp
from jax import lax
from jax.experimental import pallas as pl
from jax.experimental.pallas import tpu as pltpu
from jax.experimental.pallas import tpu_sc as plsc

B = 16384
ED = 64
CF = 64
PF = 32
NW = 32
BPW = B // NW


def _sc_gather1(t4, id_hbm, out_hbm, idx_v, buf, sem):
    wid = lax.axis_index("s") * 2 + lax.axis_index("c")
    base = wid * BPW
    pltpu.sync_copy(id_hbm.at[pl.ds(base, BPW)], idx_v)
    pltpu.async_copy(t4.at[idx_v], buf, sem).wait()
    pltpu.sync_copy(buf, out_hbm.at[pl.ds(base, BPW)])


def _cvt_body(xT_ref, out_ref):
    u = lax.bitcast_convert_type(xT_ref[...], jnp.uint32)
    r = (u + jnp.uint32(0x7FFF) + ((u >> 16) & jnp.uint32(1))) >> 16
    w = r[:32, :] | (r[32:, :] << 16)
    q = w.shape[1] // 4
    parts = [jnp.transpose(w[:, j * q:(j + 1) * q]) for j in range(4)]
    out_ref[...] = lax.bitcast_convert_type(
        jnp.concatenate(parts, axis=1), jnp.int32)


def _pack_table(tbl):
    n = tbl.shape[0]
    bk = 16384
    grid = pl.cdiv(n, bk)
    return pl.pallas_call(
        _cvt_body,
        grid=(grid,),
        in_specs=[pl.BlockSpec((ED, bk), lambda i: (0, i))],
        out_specs=pl.BlockSpec((bk // 4, 128), lambda i: (i, 0)),
        out_shape=jax.ShapeDtypeStruct((grid * (bk // 4), 128), jnp.int32),
    )(tbl.T)


def _pick(e32, m):
    lo = lax.bitcast_convert_type(e32 << 16, jnp.float32)
    hi = lax.bitcast_convert_type(e32 & jnp.int32(-65536), jnp.float32)

    def sel(x):
        a = jnp.where(m < 1, x[:, :32], x[:, 32:64])
        b = jnp.where(m < 3, x[:, 64:96], x[:, 96:])
        return jnp.where(m < 2, a, b)

    return sel(lo), sel(hi)


def _mlp_body(ce4, pe4, cm, pm, cf, pf, w1ce, w1co, w1pe, w1po,
              w1cf, w1pf, b1, w2, b2, w3, b3, w4, b4, out_ref):
    ce_e, ce_o = _pick(ce4[...], jnp.transpose(cm[...]))
    pe_e, pe_o = _pick(pe4[...], jnp.transpose(pm[...]))
    x = jnp.dot(ce_e, w1ce[...], preferred_element_type=jnp.float32)
    x += jnp.dot(ce_o, w1co[...], preferred_element_type=jnp.float32)
    x += jnp.dot(pe_e, w1pe[...], preferred_element_type=jnp.float32)
    x += jnp.dot(pe_o, w1po[...], preferred_element_type=jnp.float32)
    x += jnp.dot(cf[...], w1cf[...], preferred_element_type=jnp.float32)
    x += jnp.dot(pf[...], w1pf[...], preferred_element_type=jnp.float32)
    h = jax.nn.relu(x + b1[...])
    h = jax.nn.relu(jnp.dot(h, w2[...], preferred_element_type=jnp.float32)
                    + b2[...])
    h = jax.nn.relu(jnp.dot(h, w3[...], preferred_element_type=jnp.float32)
                    + b3[...])
    o = jnp.dot(h, w4[...], preferred_element_type=jnp.float32) + b4[...]
    out_ref[...] = jax.nn.sigmoid(o)


def kernel(customer_ids, product_ids, customer_features, product_features,
           customer_table, product_table,
           W1, b1, g1, beta1, W2, b2, g2, beta2, W3, b3, g3, beta3, W4, b4):
    cid = customer_ids.astype(jnp.int32)
    pid = product_ids.astype(jnp.int32)
    nc = customer_table.shape[0]
    np_ = product_table.shape[0]
    pt4 = _pack_table(product_table)
    ct4 = _pack_table(customer_table)

    mesh = plsc.VectorSubcoreMesh(core_axis_name="c", subcore_axis_name="s")
    gather = pl.kernel(
        _sc_gather1,
        out_type=jax.ShapeDtypeStruct((B, 128), jnp.int32),
        mesh=mesh,
        scratch_types=[
            pltpu.VMEM((BPW,), jnp.int32),
            pltpu.VMEM((BPW, 128), jnp.int32),
            pltpu.SemaphoreType.DMA,
        ],
    )
    cu = (cid // 16384) * 4096 + cid % 4096
    pu = (pid // 16384) * 4096 + pid % 4096
    pe4 = gather(pt4, pu)
    ce4 = gather(ct4, cu)
    cm = ((cid % 16384) // 4096).reshape(1, B)
    pm = ((pid % 16384) // 4096).reshape(1, B)

    inv = 1.0 / jnp.sqrt(1.0 + 1e-5)
    s1 = g1 * inv
    s2 = g2 * inv
    s3 = g3 * inv
    w1f = W1 * s1[:, None]
    b1f = (b1 * s1 + beta1).reshape(1, -1)
    w2f = (W2 * s2[:, None]).T
    b2f = (b2 * s2 + beta2).reshape(1, -1)
    w3f = (W3 * s3[:, None]).T
    b3f = (b3 * s3 + beta3).reshape(1, -1)
    w4t = W4.T
    b4r = b4.reshape(1, 1)
    w1c = w1f[:, :ED].T
    w1p = w1f[:, ED:2 * ED].T
    w1cf = w1f[:, 2 * ED:2 * ED + CF].T
    w1pf = w1f[:, 2 * ED + CF:].T
    w1ce, w1co = w1c[:32], w1c[32:]
    w1pe, w1po = w1p[:32], w1p[32:]

    BM = 4096
    grid = B // BM
    row = lambda i: (i, 0)
    row3 = lambda i: (i, 0, 0)
    full = lambda i: (0, 0)
    out = pl.pallas_call(
        _mlp_body,
        grid=(grid,),
        in_specs=[
            pl.BlockSpec((BM, 128), row),
            pl.BlockSpec((BM, 128), row),
            pl.BlockSpec((1, BM), lambda i: (0, i)),
            pl.BlockSpec((1, BM), lambda i: (0, i)),
            pl.BlockSpec((BM, CF), row),
            pl.BlockSpec((BM, PF), row),
            pl.BlockSpec((32, 256), full),
            pl.BlockSpec((32, 256), full),
            pl.BlockSpec((32, 256), full),
            pl.BlockSpec((32, 256), full),
            pl.BlockSpec((CF, 256), full),
            pl.BlockSpec((PF, 256), full),
            pl.BlockSpec((1, 256), full),
            pl.BlockSpec((256, 128), full),
            pl.BlockSpec((1, 128), full),
            pl.BlockSpec((128, 64), full),
            pl.BlockSpec((1, 64), full),
            pl.BlockSpec((64, 1), full),
            pl.BlockSpec((1, 1), full),
        ],
        out_specs=pl.BlockSpec((BM, 1), row),
        out_shape=jax.ShapeDtypeStruct((B, 1), jnp.float32),
    )(ce4, pe4, cm, pm, customer_features, product_features,
      w1ce, w1co, w1pe, w1po, w1cf, w1pf, b1f, w2f, b2f, w3f, b3f, w4t, b4r)
    return out

# --- scband reference (transcript-rebuilt; emitter-appended) ---
"""Pipeline reference for scband-neural-recommender-56556129354072 (READ-ONLY COPY).

The authoritative reference and input builder live on the scoring server;
editing this copy changes nothing except your own understanding.
"""

import jax, jax.numpy as jnp
import numpy as np

B = 16384
ED = 64
NC = 1000000
NP_ = 100000
CF = 64
PF = 32
DIMS = [2 * ED + CF + PF, 256, 128, 64]


def setup_inputs(seed: int = 0) -> dict:
    key = jax.random.key(seed)
    ks = jax.random.split(key, 16)
    inp = {}
    inp["customer_ids"] = jax.random.randint(ks[0], (B,), 0, NC, dtype=jnp.int64) if jax.config.read('jax_enable_x64') else jax.random.randint(ks[0], (B,), 0, NC)
    inp["product_ids"] = jax.random.randint(ks[1], (B,), 0, NP_)
    inp["customer_features"] = jax.random.normal(ks[2], (B, CF), dtype=jnp.float32)
    inp["product_features"] = jax.random.normal(ks[3], (B, PF), dtype=jnp.float32)
    inp["customer_table"] = (jax.random.normal(ks[4], (NC, ED), dtype=jnp.float32) * 0.01)
    inp["product_table"] = (jax.random.normal(ks[5], (NP_, ED), dtype=jnp.float32) * 0.01)
    for i in range(3):
        fan_in = DIMS[i]
        inp[f"W{i+1}"] = jax.random.normal(ks[6 + i], (DIMS[i + 1], fan_in), dtype=jnp.float32) * (1.0 / np.sqrt(fan_in))
        inp[f"b{i+1}"] = jnp.zeros((DIMS[i + 1],), dtype=jnp.float32)
        inp[f"g{i+1}"] = jnp.ones((DIMS[i + 1],), dtype=jnp.float32)
        inp[f"beta{i+1}"] = jnp.zeros((DIMS[i + 1],), dtype=jnp.float32)
    inp["W4"] = jax.random.normal(ks[9], (1, DIMS[3]), dtype=jnp.float32) * (1.0 / np.sqrt(DIMS[3]))
    inp["b4"] = jnp.zeros((1,), dtype=jnp.float32)
    return inp


def reference(customer_ids, product_ids, customer_features, product_features,
              customer_table, product_table,
              W1, b1, g1, beta1, W2, b2, g2, beta2, W3, b3, g3, beta3, W4, b4):
    # Embedding lookups (SparseCore gathers)
    ce = jnp.take(customer_table, customer_ids, axis=0)
    pe = jnp.take(product_table, product_ids, axis=0)
    x = jnp.concatenate([ce, pe, customer_features, product_features], axis=1)
    eps = 1e-5
    # Eval-mode BatchNorm1d: running_mean=0, running_var=1 (fresh module), dropout = identity
    for W, b, g, be in ((W1, b1, g1, beta1), (W2, b2, g2, beta2), (W3, b3, g3, beta3)):
        x = x @ W.T + b
        x = x / jnp.sqrt(1.0 + eps) * g + be
        x = jax.nn.relu(x)
    x = x @ W4.T + b4
    return jax.nn.sigmoid(x)

if __name__ == "__main__":
    import jax
    _d = setup_inputs()
    print(jax.jit(kernel)(*tuple(_d.values())))

</pallas_src>

<mosaic_0001>
#map = affine_map<(d0, d1) -> (0, 0)>
#map1 = affine_map<(d0, d1) -> (0)>
module attributes {stable_mosaic.version = 14 : i64} {
  func.func @_sc_gather1(%arg0: i32, %arg1: i32, %arg2: memref<28672x128xi32, #tpu.memory_space<hbm>>, %arg3: memref<16384xi32, #tpu.memory_space<hbm>>, %arg4: memref<16384x128xi32, #tpu.memory_space<hbm>>, %arg5: memref<512xi32, #tpu.memory_space<vmem>>, %arg6: memref<512x128xi32, #tpu.memory_space<vmem>>, %arg7: memref<!tpu.dma_semaphore, #tpu.memory_space<semaphore_mem>>) attributes {dimension_semantics = [#tpu.dimension_semantics<core_parallel>, #tpu.dimension_semantics<subcore_parallel>], iteration_bounds = array<i64: 2, 16>, scalar_prefetch = 0 : i64, scratch_operands = 3 : i64, tpu.core_type = #tpu.core_type<sc_vector_subcore>, window_params = [{transform_indices = #map}, {transform_indices = #map1}, {transform_indices = #map}]} {
    %mul3A = arith.constant 2 : i32
    %mul3A_0 = arith.muli %arg1, %mul3A : i32
    %add3A = arith.addi %mul3A_0, %arg0 : i32
    %mul3A_1 = arith.constant 512 : i32
    %mul3A_2 = arith.muli %add3A, %mul3A_1 : i32
    "tpu.region"() ({
      %run_scoped3A = tpu.sem_alloc : memref<!tpu.dma_semaphore, #tpu.memory_space<semaphore_mem>>
      %dma_start3A_7 = tpu.memref_slice %arg3[%mul3A_2] : memref<16384xi32, #tpu.memory_space<hbm>> -> memref<512xi32, #tpu.memory_space<hbm>>
      %dma_start3A_8 = tpu.memref_slice %arg3[%mul3A_2] : memref<16384xi32, #tpu.memory_space<hbm>> -> memref<512xi32, #tpu.memory_space<hbm>>
      tpu.enqueue_dma source(%dma_start3A_8 : memref<512xi32, #tpu.memory_space<hbm>>) target(%arg5 : memref<512xi32, #tpu.memory_space<vmem>>) target_semaphore(%run_scoped3A : memref<!tpu.dma_semaphore, #tpu.memory_space<semaphore_mem>>)
      %dma_wait3A_9 = tpu.memref_slice %arg3[%mul3A_2] : memref<16384xi32, #tpu.memory_space<hbm>> -> memref<512xi32, #tpu.memory_space<hbm>>
      %dma_wait3A_10 = tpu.memref_slice %arg3[%mul3A_2] : memref<16384xi32, #tpu.memory_space<hbm>> -> memref<512xi32, #tpu.memory_space<hbm>>
      tpu.wait_dma2 semaphore(%run_scoped3A : memref<!tpu.dma_semaphore, #tpu.memory_space<semaphore_mem>>) src(%dma_wait3A_10 : memref<512xi32, #tpu.memory_space<hbm>>) dst(%arg5 : memref<512xi32, #tpu.memory_space<vmem>>)
      tpu.yield
    }) : () -> ()
    %dma_start3A = arith.constant 0 : i32
    %dma_start3A_3 = arith.constant 0 : i32
    %dma_start3A_4 = tpu.memref_slice %arg2[%dma_start3A, %dma_start3A_3] : memref<28672x128xi32, #tpu.memory_space<hbm>> -> memref<28672x128xi32, #tpu.memory_space<hbm>>
    tpu.enqueue_indirect_dma source(%dma_start3A_4 : memref<28672x128xi32, #tpu.memory_space<hbm>>) target(%arg6 : memref<512x128xi32, #tpu.memory_space<vmem>>) offsets(%arg5 : memref<512xi32, #tpu.memory_space<vmem>>) semaphore(%arg7 : memref<!tpu.dma_semaphore, #tpu.memory_space<semaphore_mem>>)
    %dma_wait3A = arith.constant 0 : i32
    %dma_wait3A_5 = arith.constant 0 : i32
    %dma_wait3A_6 = tpu.memref_slice %arg2[%dma_wait3A, %dma_wait3A_5] : memref<28672x128xi32, #tpu.memory_space<hbm>> -> memref<28672x128xi32, #tpu.memory_space<hbm>>
    tpu.wait_indirect_dma semaphore(%arg7 : memref<!tpu.dma_semaphore, #tpu.memory_space<semaphore_mem>>) src(%dma_wait3A_6 : memref<28672x128xi32, #tpu.memory_space<hbm>>) dst(%arg6 : memref<512x128xi32, #tpu.memory_space<vmem>>)
    "tpu.region"() ({
      %run_scoped3A = tpu.sem_alloc : memref<!tpu.dma_semaphore, #tpu.memory_space<semaphore_mem>>
      %dma_start3A_7 = arith.constant 0 : i32
      %dma_start3A_8 = tpu.memref_slice %arg4[%mul3A_2, %dma_start3A_7] : memref<16384x128xi32, #tpu.memory_space<hbm>> -> memref<512x128xi32, #tpu.memory_space<hbm>>
      %dma_start3A_9 = arith.constant 0 : i32
      %dma_start3A_10 = tpu.memref_slice %arg4[%mul3A_2, %dma_start3A_9] : memref<16384x128xi32, #tpu.memory_space<hbm>> -> memref<512x128xi32, #tpu.memory_space<hbm>>
      tpu.enqueue_dma source(%arg6 : memref<512x128xi32, #tpu.memory_space<vmem>>) target(%dma_start3A_10 : memref<512x128xi32, #tpu.memory_space<hbm>>) target_semaphore(%run_scoped3A : memref<!tpu.dma_semaphore, #tpu.memory_space<semaphore_mem>>)
      %dma_wait3A_11 = arith.constant 0 : i32
      %dma_wait3A_12 = tpu.memref_slice %arg4[%mul3A_2, %dma_wait3A_11] : memref<16384x128xi32, #tpu.memory_space<hbm>> -> memref<512x128xi32, #tpu.memory_space<hbm>>
      %dma_wait3A_13 = arith.constant 0 : i32
      %dma_wait3A_14 = tpu.memref_slice %arg4[%mul3A_2, %dma_wait3A_13] : memref<16384x128xi32, #tpu.memory_space<hbm>> -> memref<512x128xi32, #tpu.memory_space<hbm>>
      tpu.wait_dma2 semaphore(%run_scoped3A : memref<!tpu.dma_semaphore, #tpu.memory_space<semaphore_mem>>) src(%arg6 : memref<512x128xi32, #tpu.memory_space<vmem>>) dst(%dma_wait3A_14 : memref<512x128xi32, #tpu.memory_space<hbm>>)
      tpu.yield
    }) : () -> ()
    return
  }
}

#map = affine_map<(d0, d1) -> (0, 0)>
#map1 = affine_map<(d0, d1) -> (0)>
module attributes {stable_mosaic.version = 14 : i64} {
  func.func @_sc_gather1(%arg0: i32, %arg1: i32, %arg2: memref<253952x128xi32, #tpu.memory_space<hbm>>, %arg3: memref<16384xi32, #tpu.memory_space<hbm>>, %arg4: memref<16384x128xi32, #tpu.memory_space<hbm>>, %arg5: memref<512xi32, #tpu.memory_space<vmem>>, %arg6: memref<512x128xi32, #tpu.memory_space<vmem>>, %arg7: memref<!tpu.dma_semaphore, #tpu.memory_space<semaphore_mem>>) attributes {dimension_semantics = [#tpu.dimension_semantics<core_parallel>, #tpu.dimension_semantics<subcore_parallel>], iteration_bounds = array<i64: 2, 16>, scalar_prefetch = 0 : i64, scratch_operands = 3 : i64, tpu.core_type = #tpu.core_type<sc_vector_subcore>, window_params = [{transform_indices = #map}, {transform_indices = #map1}, {transform_indices = #map}]} {
    %mul3A = arith.constant 2 : i32
    %mul3A_0 = arith.muli %arg1, %mul3A : i32
    %add3A = arith.addi %mul3A_0, %arg0 : i32
    %mul3A_1 = arith.constant 512 : i32
    %mul3A_2 = arith.muli %add3A, %mul3A_1 : i32
    "tpu.region"() ({
      %run_scoped3A = tpu.sem_alloc : memref<!tpu.dma_semaphore, #tpu.memory_space<semaphore_mem>>
      %dma_start3A_7 = tpu.memref_slice %arg3[%mul3A_2] : memref<16384xi32, #tpu.memory_space<hbm>> -> memref<512xi32, #tpu.memory_space<hbm>>
      %dma_start3A_8 = tpu.memref_slice %arg3[%mul3A_2] : memref<16384xi32, #tpu.memory_space<hbm>> -> memref<512xi32, #tpu.memory_space<hbm>>
      tpu.enqueue_dma source(%dma_start3A_8 : memref<512xi32, #tpu.memory_space<hbm>>) target(%arg5 : memref<512xi32, #tpu.memory_space<vmem>>) target_semaphore(%run_scoped3A : memref<!tpu.dma_semaphore, #tpu.memory_space<semaphore_mem>>)
      %dma_wait3A_9 = tpu.memref_slice %arg3[%mul3A_2] : memref<16384xi32, #tpu.memory_space<hbm>> -> memref<512xi32, #tpu.memory_space<hbm>>
      %dma_wait3A_10 = tpu.memref_slice %arg3[%mul3A_2] : memref<16384xi32, #tpu.memory_space<hbm>> -> memref<512xi32, #tpu.memory_space<hbm>>
      tpu.wait_dma2 semaphore(%run_scoped3A : memref<!tpu.dma_semaphore, #tpu.memory_space<semaphore_mem>>) src(%dma_wait3A_10 : memref<512xi32, #tpu.memory_space<hbm>>) dst(%arg5 : memref<512xi32, #tpu.memory_space<vmem>>)
      tpu.yield
    }) : () -> ()
    %dma_start3A = arith.constant 0 : i32
    %dma_start3A_3 = arith.constant 0 : i32
    %dma_start3A_4 = tpu.memref_slice %arg2[%dma_start3A, %dma_start3A_3] : memref<253952x128xi32, #tpu.memory_space<hbm>> -> memref<253952x128xi32, #tpu.memory_space<hbm>>
    tpu.enqueue_indirect_dma source(%dma_start3A_4 : memref<253952x128xi32, #tpu.memory_space<hbm>>) target(%arg6 : memref<512x128xi32, #tpu.memory_space<vmem>>) offsets(%arg5 : memref<512xi32, #tpu.memory_space<vmem>>) semaphore(%arg7 : memref<!tpu.dma_semaphore, #tpu.memory_space<semaphore_mem>>)
    %dma_wait3A = arith.constant 0 : i32
    %dma_wait3A_5 = arith.constant 0 : i32
    %dma_wait3A_6 = tpu.memref_slice %arg2[%dma_wait3A, %dma_wait3A_5] : memref<253952x128xi32, #tpu.memory_space<hbm>> -> memref<253952x128xi32, #tpu.memory_space<hbm>>
    tpu.wait_indirect_dma semaphore(%arg7 : memref<!tpu.dma_semaphore, #tpu.memory_space<semaphore_mem>>) src(%dma_wait3A_6 : memref<253952x128xi32, #tpu.memory_space<hbm>>) dst(%arg6 : memref<512x128xi32, #tpu.memory_space<vmem>>)
    "tpu.region"() ({
      %run_scoped3A = tpu.sem_alloc : memref<!tpu.dma_semaphore, #tpu.memory_space<semaphore_mem>>
      %dma_start3A_7 = arith.constant 0 : i32
      %dma_start3A_8 = tpu.memref_slice %arg4[%mul3A_2, %dma_start3A_7] : memref<16384x128xi32, #tpu.memory_space<hbm>> -> memref<512x128xi32, #tpu.memory_space<hbm>>
      %dma_start3A_9 = arith.constant 0 : i32
      %dma_start3A_10 = tpu.memref_slice %arg4[%mul3A_2, %dma_start3A_9] : memref<16384x128xi32, #tpu.memory_space<hbm>> -> memref<512x128xi32, #tpu.memory_space<hbm>>
      tpu.enqueue_dma source(%arg6 : memref<512x128xi32, #tpu.memory_space<vmem>>) target(%dma_start3A_10 : memref<512x128xi32, #tpu.memory_space<hbm>>) target_semaphore(%run_scoped3A : memref<!tpu.dma_semaphore, #tpu.memory_space<semaphore_mem>>)
      %dma_wait3A_11 = arith.constant 0 : i32
      %dma_wait3A_12 = tpu.memref_slice %arg4[%mul3A_2, %dma_wait3A_11] : memref<16384x128xi32, #tpu.memory_space<hbm>> -> memref<512x128xi32, #tpu.memory_space<hbm>>
      %dma_wait3A_13 = arith.constant 0 : i32
      %dma_wait3A_14 = tpu.memref_slice %arg4[%mul3A_2, %dma_wait3A_13] : memref<16384x128xi32, #tpu.memory_space<hbm>> -> memref<512x128xi32, #tpu.memory_space<hbm>>
      tpu.wait_dma2 semaphore(%run_scoped3A : memref<!tpu.dma_semaphore, #tpu.memory_space<semaphore_mem>>) src(%arg6 : memref<512x128xi32, #tpu.memory_space<vmem>>) dst(%dma_wait3A_14 : memref<512x128xi32, #tpu.memory_space<hbm>>)
      tpu.yield
    }) : () -> ()
    return
  }
}

module attributes {stable_mosaic.version = 14 : i64} {
  func.func @_cvt_body(%arg0: i32, %arg1: memref<64x16384xf32, #tpu.memory_space<vmem>>, %arg2: memref<4096x128xi32, #tpu.memory_space<vmem>>) attributes {dimension_semantics = [#tpu.dimension_semantics<arbitrary>], iteration_bounds = array<i64: 7>, scalar_prefetch = 0 : i64, scratch_operands = 0 : i64, tpu.core_type = #tpu.core_type<tc>, window_params = [{transform_indices = @transform_0, window_bounds = array<i64: 64, 16384>}, {transform_indices = @transform_1, window_bounds = array<i64: 4096, 128>}]} {
    %get3A = arith.constant 0 : index
    %get3A_0 = arith.constant 0 : index
    %get3A_1 = vector.load %arg1[%get3A, %get3A_0] : memref<64x16384xf32, #tpu.memory_space<vmem>>, vector<64x16384xf32>
    %bitcast_convert_type3A = tpu.bitcast %get3A_1 : vector<64x16384xf32> -> vector<64x16384xi32>
    %add3A = arith.constant 32767 : i32
    %add3A_2 = vector.broadcast %add3A : i32 to vector<64x16384xi32>
    %add3A_3 = arith.addi %bitcast_convert_type3A, %add3A_2 : vector<64x16384xi32>
    %shift_right_logical3A = arith.constant 16 : i32
    %shift_right_logical3A_4 = vector.broadcast %shift_right_logical3A : i32 to vector<64x16384xi32>
    %shift_right_logical3A_5 = arith.shrui %bitcast_convert_type3A, %shift_right_logical3A_4 : vector<64x16384xi32>
    %and3A = arith.constant 1 : i32
    %and3A_6 = vector.broadcast %and3A : i32 to vector<64x16384xi32>
    %and3A_7 = arith.andi %shift_right_logical3A_5, %and3A_6 : vector<64x16384xi32>
    %add3A_8 = arith.addi %add3A_3, %and3A_7 : vector<64x16384xi32>
    %shift_right_logical3A_9 = arith.constant 16 : i32
    %shift_right_logical3A_10 = vector.broadcast %shift_right_logical3A_9 : i32 to vector<64x16384xi32>
    %shift_right_logical3A_11 = arith.shrui %add3A_8, %shift_right_logical3A_10 : vector<64x16384xi32>
    %slice3A = vector.extract_strided_slice %shift_right_logical3A_11 {offsets = [0, 0], sizes = [32, 16384], strides = [1, 1]} : vector<64x16384xi32> to vector<32x16384xi32>
    %slice3A_12 = vector.extract_strided_slice %shift_right_logical3A_11 {offsets = [32, 0], sizes = [32, 16384], strides = [1, 1]} : vector<64x16384xi32> to vector<32x16384xi32>
    %shift_left3A = arith.constant 16 : i32
    %shift_left3A_13 = vector.broadcast %shift_left3A : i32 to vector<32x16384xi32>
    %shift_left3A_14 = arith.shli %slice3A_12, %shift_left3A_13 : vector<32x16384xi32>
    %or3A = arith.ori %slice3A, %shift_left3A_14 : vector<32x16384xi32>
    %slice3A_15 = vector.extract_strided_slice %or3A {offsets = [0, 0], sizes = [32, 4096], strides = [1, 1]} : vector<32x16384xi32> to vector<32x4096xi32>
    %transpose3A = tpu.transpose %slice3A_15, [1, 0] : vector<32x4096xi32> -> vector<4096x32xi32>
    %slice3A_16 = vector.extract_strided_slice %or3A {offsets = [0, 4096], sizes = [32, 4096], strides = [1, 1]} : vector<32x16384xi32> to vector<32x4096xi32>
    %transpose3A_17 = tpu.transpose %slice3A_16, [1, 0] : vector<32x4096xi32> -> vector<4096x32xi32>
    %slice3A_18 = vector.extract_strided_slice %or3A {offsets = [0, 8192], sizes = [32, 4096], strides = [1, 1]} : vector<32x16384xi32> to vector<32x4096xi32>
    %transpose3A_19 = tpu.transpose %slice3A_18, [1, 0] : vector<32x4096xi32> -> vector<4096x32xi32>
    %slice3A_20 = vector.extract_strided_slice %or3A {offsets = [0, 12288], sizes = [32, 4096], strides = [1, 1]} : vector<32x16384xi32> to vector<32x4096xi32>
    %transpose3A_21 = tpu.transpose %slice3A_20, [1, 0] : vector<32x4096xi32> -> vector<4096x32xi32>
    %concatenate3A = tpu.concatenate %transpose3A, %transpose3A_17, %transpose3A_19, %transpose3A_21 in 1 : vector<4096x32xi32>, vector<4096x32xi32>, vector<4096x32xi32>, vector<4096x32xi32> -> vector<4096x128xi32>
    %bitcast_convert_type3A_22 = tpu.bitcast %concatenate3A : vector<4096x128xi32> -> vector<4096x128xi32>
    %swap3A = arith.constant 0 : index
    %swap3A_23 = arith.constant 0 : index
    %swap3A_24 = vector.load %arg2[%swap3A, %swap3A_23] : memref<4096x128xi32, #tpu.memory_space<vmem>>, vector<4096x128xi32>
    tpu.vector_store %arg2[%swap3A, %swap3A_23], %bitcast_convert_type3A_22 {strides = array<i32>} : memref<4096x128xi32, #tpu.memory_space<vmem>>, vector<4096x128xi32>,
    return
  }
  func.func @transform_0(%arg0: i32) -> (i32, i32) {
    %c0_i32 = arith.constant 0 : i32
    %c0_i32_0 = arith.constant 0 : i32
    return %c0_i32, %arg0 : i32, i32
  }
  func.func @transform_1(%arg0: i32) -> (i32, i32) {
    %c0_i32 = arith.constant 0 : i32
    %c0_i32_0 = arith.constant 0 : i32
    return %arg0, %c0_i32 : i32, i32
  }
}

module attributes {stable_mosaic.version = 14 : i64} {
  func.func @_cvt_body(%arg0: i32, %arg1: memref<64x16384xf32, #tpu.memory_space<vmem>>, %arg2: memref<4096x128xi32, #tpu.memory_space<vmem>>) attributes {dimension_semantics = [#tpu.dimension_semantics<arbitrary>], iteration_bounds = array<i64: 62>, scalar_prefetch = 0 : i64, scratch_operands = 0 : i64, tpu.core_type = #tpu.core_type<tc>, window_params = [{transform_indices = @transform_0, window_bounds = array<i64: 64, 16384>}, {transform_indices = @transform_1, window_bounds = array<i64: 4096, 128>}]} {
    %get3A = arith.constant 0 : index
    %get3A_0 = arith.constant 0 : index
    %get3A_1 = vector.load %arg1[%get3A, %get3A_0] : memref<64x16384xf32, #tpu.memory_space<vmem>>, vector<64x16384xf32>
    %bitcast_convert_type3A = tpu.bitcast %get3A_1 : vector<64x16384xf32> -> vector<64x16384xi32>
    %add3A = arith.constant 32767 : i32
    %add3A_2 = vector.broadcast %add3A : i32 to vector<64x16384xi32>
    %add3A_3 = arith.addi %bitcast_convert_type3A, %add3A_2 : vector<64x16384xi32>
    %shift_right_logical3A = arith.constant 16 : i32
    %shift_right_logical3A_4 = vector.broadcast %shift_right_logical3A : i32 to vector<64x16384xi32>
    %shift_right_logical3A_5 = arith.shrui %bitcast_convert_type3A, %shift_right_logical3A_4 : vector<64x16384xi32>
    %and3A = arith.constant 1 : i32
    %and3A_6 = vector.broadcast %and3A : i32 to vector<64x16384xi32>
    %and3A_7 = arith.andi %shift_right_logical3A_5, %and3A_6 : vector<64x16384xi32>
    %add3A_8 = arith.addi %add3A_3, %and3A_7 : vector<64x16384xi32>
    %shift_right_logical3A_9 = arith.constant 16 : i32
    %shift_right_logical3A_10 = vector.broadcast %shift_right_logical3A_9 : i32 to vector<64x16384xi32>
    %shift_right_logical3A_11 = arith.shrui %add3A_8, %shift_right_logical3A_10 : vector<64x16384xi32>
    %slice3A = vector.extract_strided_slice %shift_right_logical3A_11 {offsets = [0, 0], sizes = [32, 16384], strides = [1, 1]} : vector<64x16384xi32> to vector<32x16384xi32>
    %slice3A_12 = vector.extract_strided_slice %shift_right_logical3A_11 {offsets = [32, 0], sizes = [32, 16384], strides = [1, 1]} : vector<64x16384xi32> to vector<32x16384xi32>
    %shift_left3A = arith.constant 16 : i32
    %shift_left3A_13 = vector.broadcast %shift_left3A : i32 to vector<32x16384xi32>
    %shift_left3A_14 = arith.shli %slice3A_12, %shift_left3A_13 : vector<32x16384xi32>
    %or3A = arith.ori %slice3A, %shift_left3A_14 : vector<32x16384xi32>
    %slice3A_15 = vector.extract_strided_slice %or3A {offsets = [0, 0], sizes = [32, 4096], strides = [1, 1]} : vector<32x16384xi32> to vector<32x4096xi32>
    %transpose3A = tpu.transpose %slice3A_15, [1, 0] : vector<32x4096xi32> -> vector<4096x32xi32>
    %slice3A_16 = vector.extract_strided_slice %or3A {offsets = [0, 4096], sizes = [32, 4096], strides = [1, 1]} : vector<32x16384xi32> to vector<32x4096xi32>
    %transpose3A_17 = tpu.transpose %slice3A_16, [1, 0] : vector<32x4096xi32> -> vector<4096x32xi32>
    %slice3A_18 = vector.extract_strided_slice %or3A {offsets = [0, 8192], sizes = [32, 4096], strides = [1, 1]} : vector<32x16384xi32> to vector<32x4096xi32>
    %transpose3A_19 = tpu.transpose %slice3A_18, [1, 0] : vector<32x4096xi32> -> vector<4096x32xi32>
    %slice3A_20 = vector.extract_strided_slice %or3A {offsets = [0, 12288], sizes = [32, 4096], strides = [1, 1]} : vector<32x16384xi32> to vector<32x4096xi32>
    %transpose3A_21 = tpu.transpose %slice3A_20, [1, 0] : vector<32x4096xi32> -> vector<4096x32xi32>
    %concatenate3A = tpu.concatenate %transpose3A, %transpose3A_17, %transpose3A_19, %transpose3A_21 in 1 : vector<4096x32xi32>, vector<4096x32xi32>, vector<4096x32xi32>, vector<4096x32xi32> -> vector<4096x128xi32>
    %bitcast_convert_type3A_22 = tpu.bitcast %concatenate3A : vector<4096x128xi32> -> vector<4096x128xi32>
    %swap3A = arith.constant 0 : index
    %swap3A_23 = arith.constant 0 : index
    %swap3A_24 = vector.load %arg2[%swap3A, %swap3A_23] : memref<4096x128xi32, #tpu.memory_space<vmem>>, vector<4096x128xi32>
    tpu.vector_store %arg2[%swap3A, %swap3A_23], %bitcast_convert_type3A_22 {strides = array<i32>} : memref<4096x128xi32, #tpu.memory_space<vmem>>, vector<4096x128xi32>,
    return
  }
  func.func @transform_0(%arg0: i32) -> (i32, i32) {
    %c0_i32 = arith.constant 0 : i32
    %c0_i32_0 = arith.constant 0 : i32
    return %c0_i32, %arg0 : i32, i32
  }
  func.func @transform_1(%arg0: i32) -> (i32, i32) {
    %c0_i32 = arith.constant 0 : i32
    %c0_i32_0 = arith.constant 0 : i32
    return %arg0, %c0_i32 : i32, i32
  }
}

module attributes {stable_mosaic.version = 14 : i64} {
  func.func @_mlp_body(%arg0: i32, %arg1: memref<4096x128xi32, #tpu.memory_space<vmem>>, %arg2: memref<4096x128xi32, #tpu.memory_space<vmem>>, %arg3: memref<1x4096xi32, #tpu.memory_space<vmem>>, %arg4: memref<1x4096xi32, #tpu.memory_space<vmem>>, %arg5: memref<4096x64xf32, #tpu.memory_space<vmem>>, %arg6: memref<4096x32xf32, #tpu.memory_space<vmem>>, %arg7: memref<32x256xf32, #tpu.memory_space<vmem>>, %arg8: memref<32x256xf32, #tpu.memory_space<vmem>>, %arg9: memref<32x256xf32, #tpu.memory_space<vmem>>, %arg10: memref<32x256xf32, #tpu.memory_space<vmem>>, %arg11: memref<64x256xf32, #tpu.memory_space<vmem>>, %arg12: memref<32x256xf32, #tpu.memory_space<vmem>>, %arg13: memref<1x256xf32, #tpu.memory_space<vmem>>, %arg14: memref<256x128xf32, #tpu.memory_space<vmem>>, %arg15: memref<1x128xf32, #tpu.memory_space<vmem>>, %arg16: memref<128x64xf32, #tpu.memory_space<vmem>>, %arg17: memref<1x64xf32, #tpu.memory_space<vmem>>, %arg18: memref<64x1xf32, #tpu.memory_space<vmem>>, %arg19: memref<1x1xf32, #tpu.memory_space<vmem>>, %arg20: memref<4096x1xf32, #tpu.memory_space<vmem>>) attributes {dimension_semantics = [#tpu.dimension_semantics<arbitrary>], iteration_bounds = array<i64: 4>, scalar_prefetch = 0 : i64, scratch_operands = 0 : i64, tpu.core_type = #tpu.core_type<tc>, window_params = [{transform_indices = @transform_0, window_bounds = array<i64: 4096, 128>}, {transform_indices = @transform_1, window_bounds = array<i64: 4096, 128>}, {transform_indices = @transform_2, window_bounds = array<i64: 1, 4096>}, {transform_indices = @transform_3, window_bounds = array<i64: 1, 4096>}, {transform_indices = @transform_4, window_bounds = array<i64: 4096, 64>}, {transform_indices = @transform_5, window_bounds = array<i64: 4096, 32>}, {pipeline_mode = #tpu.pipeline_mode<synchronous>, transform_indices = @transform_6, window_bounds = array<i64: 32, 256>}, {pipeline_mode = #tpu.pipeline_mode<synchronous>, transform_indices = @transform_7, window_bounds = array<i64: 32, 256>}, {pipeline_mode = #tpu.pipeline_mode<synchronous>, transform_indices = @transform_8, window_bounds = array<i64: 32, 256>}, {pipeline_mode = #tpu.pipeline_mode<synchronous>, transform_indices = @transform_9, window_bounds = array<i64: 32, 256>}, {pipeline_mode = #tpu.pipeline_mode<synchronous>, transform_indices = @transform_10, window_bounds = array<i64: 64, 256>}, {pipeline_mode = #tpu.pipeline_mode<synchronous>, transform_indices = @transform_11, window_bounds = array<i64: 32, 256>}, {pipeline_mode = #tpu.pipeline_mode<synchronous>, transform_indices = @transform_12, window_bounds = array<i64: 1, 256>}, {pipeline_mode = #tpu.pipeline_mode<synchronous>, transform_indices = @transform_13, window_bounds = array<i64: 256, 128>}, {pipeline_mode = #tpu.pipeline_mode<synchronous>, transform_indices = @transform_14, window_bounds = array<i64: 1, 128>}, {pipeline_mode = #tpu.pipeline_mode<synchronous>, transform_indices = @transform_15, window_bounds = array<i64: 128, 64>}, {pipeline_mode = #tpu.pipeline_mode<synchronous>, transform_indices = @transform_16, window_bounds = array<i64: 1, 64>}, {pipeline_mode = #tpu.pipeline_mode<synchronous>, transform_indices = @transform_17, window_bounds = array<i64: 64, 1>}, {pipeline_mode = #tpu.pipeline_mode<synchronous>, transform_indices = @transform_18, window_bounds = array<i64: 1, 1>}, {transform_indices = @transform_19, window_bounds = array<i64: 4096, 1>}]} {
    %get3A = arith.constant 0 : index
    %get3A_0 = arith.constant 0 : index
    %get3A_1 = vector.load %arg1[%get3A, %get3A_0] : memref<4096x128xi32, #tpu.memory_space<vmem>>, vector<4096x128xi32>
    %get3A_2 = arith.constant 0 : index
    %get3A_3 = arith.constant 0 : index
    %get3A_4 = vector.load %arg3[%get3A_2, %get3A_3] : memref<1x4096xi32, #tpu.memory_space<vmem>>, vector<1x4096xi32>
    %transpose3A = tpu.transpose %get3A_4, [1, 0] : vector<1x4096xi32> -> vector<4096x1xi32>
    %shift_left3A = arith.constant 16 : i32
    %shift_left3A_5 = vector.broadcast %shift_left3A : i32 to vector<4096x128xi32>
    %shift_left3A_6 = arith.shli %get3A_1, %shift_left3A_5 : vector<4096x128xi32>
    %bitcast_convert_type3A = tpu.bitcast %shift_left3A_6 : vector<4096x128xi32> -> vector<4096x128xf32>
    %and3A = arith.constant -65536 : i32
    %and3A_7 = vector.broadcast %and3A : i32 to vector<4096x128xi32>
    %and3A_8 = arith.andi %get3A_1, %and3A_7 : vector<4096x128xi32>
    %bitcast_convert_type3A_9 = tpu.bitcast %and3A_8 : vector<4096x128xi32> -> vector<4096x128xf32>
    %lt3A = arith.constant 1 : i32
    %lt3A_10 = vector.broadcast %lt3A : i32 to vector<4096x1xi32>
    %lt3A_11 = arith.cmpi slt, %transpose3A, %lt3A_10 : vector<4096x1xi32>
    %slice3A = vector.extract_strided_slice %bitcast_convert_type3A {offsets = [0, 0], sizes = [4096, 32], strides = [1, 1]} : vector<4096x128xf32> to vector<4096x32xf32>
    %slice3A_12 = vector.extract_strided_slice %bitcast_convert_type3A {offsets = [0, 32], sizes = [4096, 32], strides = [1, 1]} : vector<4096x128xf32> to vector<4096x32xf32>
    %broadcast_in_dim3A = vector.shape_cast %lt3A_11 : vector<4096x1xi1> to vector<4096x1xi1>
    %broadcast_in_dim3A_13 = vector.broadcast %broadcast_in_dim3A : vector<4096x1xi1> to vector<4096x32xi1>
    %select_n3A = arith.select %broadcast_in_dim3A_13, %slice3A, %slice3A_12 : vector<4096x32xi1>, vector<4096x32xf32>
    %lt3A_14 = arith.constant 3 : i32
    %lt3A_15 = vector.broadcast %lt3A_14 : i32 to vector<4096x1xi32>
    %lt3A_16 = arith.cmpi slt, %transpose3A, %lt3A_15 : vector<4096x1xi32>
    %slice3A_17 = vector.extract_strided_slice %bitcast_convert_type3A {offsets = [0, 64], sizes = [4096, 32], strides = [1, 1]} : vector<4096x128xf32> to vector<4096x32xf32>
    %slice3A_18 = vector.extract_strided_slice %bitcast_convert_type3A {offsets = [0, 96], sizes = [4096, 32], strides = [1, 1]} : vector<4096x128xf32> to vector<4096x32xf32>
    %broadcast_in_dim3A_19 = vector.shape_cast %lt3A_16 : vector<4096x1xi1> to vector<4096x1xi1>
    %broadcast_in_dim3A_20 = vector.broadcast %broadcast_in_dim3A_19 : vector<4096x1xi1> to vector<4096x32xi1>
    %select_n3A_21 = arith.select %broadcast_in_dim3A_20, %slice3A_17, %slice3A_18 : vector<4096x32xi1>, vector<4096x32xf32>
    %lt3A_22 = arith.constant 2 : i32
    %lt3A_23 = vector.broadcast %lt3A_22 : i32 to vector<4096x1xi32>
    %lt3A_24 = arith.cmpi slt, %transpose3A, %lt3A_23 : vector<4096x1xi32>
    %broadcast_in_dim3A_25 = vector.shape_cast %lt3A_24 : vector<4096x1xi1> to vector<4096x1xi1>
    %broadcast_in_dim3A_26 = vector.broadcast %broadcast_in_dim3A_25 : vector<4096x1xi1> to vector<4096x32xi1>
    %select_n3A_27 = arith.select %broadcast_in_dim3A_26, %select_n3A, %select_n3A_21 : vector<4096x32xi1>, vector<4096x32xf32>
    %lt3A_28 = arith.constant 1 : i32
    %lt3A_29 = vector.broadcast %lt3A_28 : i32 to vector<4096x1xi32>
    %lt3A_30 = arith.cmpi slt, %transpose3A, %lt3A_29 : vector<4096x1xi32>
    %slice3A_31 = vector.extract_strided_slice %bitcast_convert_type3A_9 {offsets = [0, 0], sizes = [4096, 32], strides = [1, 1]} : vector<4096x128xf32> to vector<4096x32xf32>
    %slice3A_32 = vector.extract_strided_slice %bitcast_convert_type3A_9 {offsets = [0, 32], sizes = [4096, 32], strides = [1, 1]} : vector<4096x128xf32> to vector<4096x32xf32>
    %broadcast_in_dim3A_33 = vector.shape_cast %lt3A_30 : vector<4096x1xi1> to vector<4096x1xi1>
    %broadcast_in_dim3A_34 = vector.broadcast %broadcast_in_dim3A_33 : vector<4096x1xi1> to vector<4096x32xi1>
    %select_n3A_35 = arith.select %broadcast_in_dim3A_34, %slice3A_31, %slice3A_32 : vector<4096x32xi1>, vector<4096x32xf32>
    %lt3A_36 = arith.constant 3 : i32
    %lt3A_37 = vector.broadcast %lt3A_36 : i32 to vector<4096x1xi32>
    %lt3A_38 = arith.cmpi slt, %transpose3A, %lt3A_37 : vector<4096x1xi32>
    %slice3A_39 = vector.extract_strided_slice %bitcast_convert_type3A_9 {offsets = [0, 64], sizes = [4096, 32], strides = [1, 1]} : vector<4096x128xf32> to vector<4096x32xf32>
    %slice3A_40 = vector.extract_strided_slice %bitcast_convert_type3A_9 {offsets = [0, 96], sizes = [4096, 32], strides = [1, 1]} : vector<4096x128xf32> to vector<4096x32xf32>
    %broadcast_in_dim3A_41 = vector.shape_cast %lt3A_38 : vector<4096x1xi1> to vector<4096x1xi1>
    %broadcast_in_dim3A_42 = vector.broadcast %broadcast_in_dim3A_41 : vector<4096x1xi1> to vector<4096x32xi1>
    %select_n3A_43 = arith.select %broadcast_in_dim3A_42, %slice3A_39, %slice3A_40 : vector<4096x32xi1>, vector<4096x32xf32>
    %lt3A_44 = arith.constant 2 : i32
    %lt3A_45 = vector.broadcast %lt3A_44 : i32 to vector<4096x1xi32>
    %lt3A_46 = arith.cmpi slt, %transpose3A, %lt3A_45 : vector<4096x1xi32>
    %broadcast_in_dim3A_47 = vector.shape_cast %lt3A_46 : vector<4096x1xi1> to vector<4096x1xi1>
    %broadcast_in_dim3A_48 = vector.broadcast %broadcast_in_dim3A_47 : vector<4096x1xi1> to vector<4096x32xi1>
    %select_n3A_49 = arith.select %broadcast_in_dim3A_48, %select_n3A_35, %select_n3A_43 : vector<4096x32xi1>, vector<4096x32xf32>
    %get3A_50 = arith.constant 0 : index
    %get3A_51 = arith.constant 0 : index
    %get3A_52 = vector.load %arg2[%get3A_50, %get3A_51] : memref<4096x128xi32, #tpu.memory_space<vmem>>, vector<4096x128xi32>
    %get3A_53 = arith.constant 0 : index
    %get3A_54 = arith.constant 0 : index
    %get3A_55 = vector.load %arg4[%get3A_53, %get3A_54] : memref<1x4096xi32, #tpu.memory_space<vmem>>, vector<1x4096xi32>
    %transpose3A_56 = tpu.transpose %get3A_55, [1, 0] : vector<1x4096xi32> -> vector<4096x1xi32>
    %shift_left3A_57 = arith.constant 16 : i32
    %shift_left3A_58 = vector.broadcast %shift_left3A_57 : i32 to vector<4096x128xi32>
    %shift_left3A_59 = arith.shli %get3A_52, %shift_left3A_58 : vector<4096x128xi32>
    %bitcast_convert_type3A_60 = tpu.bitcast %shift_left3A_59 : vector<4096x128xi32> -> vector<4096x128xf32>
    %and3A_61 = arith.constant -65536 : i32
    %and3A_62 = vector.broadcast %and3A_61 : i32 to vector<4096x128xi32>
    %and3A_63 = arith.andi %get3A_52, %and3A_62 : vector<4096x128xi32>
    %bitcast_convert_type3A_64 = tpu.bitcast %and3A_63 : vector<4096x128xi32> -> vector<4096x128xf32>
    %lt3A_65 = arith.constant 1 : i32
    %lt3A_66 = vector.broadcast %lt3A_65 : i32 to vector<4096x1xi32>
    %lt3A_67 = arith.cmpi slt, %transpose3A_56, %lt3A_66 : vector<4096x1xi32>
    %slice3A_68 = vector.extract_strided_slice %bitcast_convert_type3A_60 {offsets = [0, 0], sizes = [4096, 32], strides = [1, 1]} : vector<4096x128xf32> to vector<4096x32xf32>
    %slice3A_69 = vector.extract_strided_slice %bitcast_convert_type3A_60 {offsets = [0, 32], sizes = [4096, 32], strides = [1, 1]} : vector<4096x128xf32> to vector<4096x32xf32>
    %broadcast_in_dim3A_70 = vector.shape_cast %lt3A_67 : vector<4096x1xi1> to vector<4096x1xi1>
    %broadcast_in_dim3A_71 = vector.broadcast %broadcast_in_dim3A_70 : vector<4096x1xi1> to vector<4096x32xi1>
    %select_n3A_72 = arith.select %broadcast_in_dim3A_71, %slice3A_68, %slice3A_69 : vector<4096x32xi1>, vector<4096x32xf32>
    %lt3A_73 = arith.constant 3 : i32
    %lt3A_74 = vector.broadcast %lt3A_73 : i32 to vector<4096x1xi32>
    %lt3A_75 = arith.cmpi slt, %transpose3A_56, %lt3A_74 : vector<4096x1xi32>
    %slice3A_76 = vector.extract_strided_slice %bitcast_convert_type3A_60 {offsets = [0, 64], sizes = [4096, 32], strides = [1, 1]} : vector<4096x128xf32> to vector<4096x32xf32>
    %slice3A_77 = vector.extract_strided_slice %bitcast_convert_type3A_60 {offsets = [0, 96], sizes = [4096, 32], strides = [1, 1]} : vector<4096x128xf32> to vector<4096x32xf32>
    %broadcast_in_dim3A_78 = vector.shape_cast %lt3A_75 : vector<4096x1xi1> to vector<4096x1xi1>
    %broadcast_in_dim3A_79 = vector.broadcast %broadcast_in_dim3A_78 : vector<4096x1xi1> to vector<4096x32xi1>
    %select_n3A_80 = arith.select %broadcast_in_dim3A_79, %slice3A_76, %slice3A_77 : vector<4096x32xi1>, vector<4096x32xf32>
    %lt3A_81 = arith.constant 2 : i32
    %lt3A_82 = vector.broadcast %lt3A_81 : i32 to vector<4096x1xi32>
    %lt3A_83 = arith.cmpi slt, %transpose3A_56, %lt3A_82 : vector<4096x1xi32>
    %broadcast_in_dim3A_84 = vector.shape_cast %lt3A_83 : vector<4096x1xi1> to vector<4096x1xi1>
    %broadcast_in_dim3A_85 = vector.broadcast %broadcast_in_dim3A_84 : vector<4096x1xi1> to vector<4096x32xi1>
    %select_n3A_86 = arith.select %broadcast_in_dim3A_85, %select_n3A_72, %select_n3A_80 : vector<4096x32xi1>, vector<4096x32xf32>
    %lt3A_87 = arith.constant 1 : i32
    %lt3A_88 = vector.broadcast %lt3A_87 : i32 to vector<4096x1xi32>
    %lt3A_89 = arith.cmpi slt, %transpose3A_56, %lt3A_88 : vector<4096x1xi32>
    %slice3A_90 = vector.extract_strided_slice %bitcast_convert_type3A_64 {offsets = [0, 0], sizes = [4096, 32], strides = [1, 1]} : vector<4096x128xf32> to vector<4096x32xf32>
    %slice3A_91 = vector.extract_strided_slice %bitcast_convert_type3A_64 {offsets = [0, 32], sizes = [4096, 32], strides = [1, 1]} : vector<4096x128xf32> to vector<4096x32xf32>
    %broadcast_in_dim3A_92 = vector.shape_cast %lt3A_89 : vector<4096x1xi1> to vector<4096x1xi1>
    %broadcast_in_dim3A_93 = vector.broadcast %broadcast_in_dim3A_92 : vector<4096x1xi1> to vector<4096x32xi1>
    %select_n3A_94 = arith.select %broadcast_in_dim3A_93, %slice3A_90, %slice3A_91 : vector<4096x32xi1>, vector<4096x32xf32>
    %lt3A_95 = arith.constant 3 : i32
    %lt3A_96 = vector.broadcast %lt3A_95 : i32 to vector<4096x1xi32>
    %lt3A_97 = arith.cmpi slt, %transpose3A_56, %lt3A_96 : vector<4096x1xi32>
    %slice3A_98 = vector.extract_strided_slice %bitcast_convert_type3A_64 {offsets = [0, 64], sizes = [4096, 32], strides = [1, 1]} : vector<4096x128xf32> to vector<4096x32xf32>
    %slice3A_99 = vector.extract_strided_slice %bitcast_convert_type3A_64 {offsets = [0, 96], sizes = [4096, 32], strides = [1, 1]} : vector<4096x128xf32> to vector<4096x32xf32>
    %broadcast_in_dim3A_100 = vector.shape_cast %lt3A_97 : vector<4096x1xi1> to vector<4096x1xi1>
    %broadcast_in_dim3A_101 = vector.broadcast %broadcast_in_dim3A_100 : vector<4096x1xi1> to vector<4096x32xi1>
    %select_n3A_102 = arith.select %broadcast_in_dim3A_101, %slice3A_98, %slice3A_99 : vector<4096x32xi1>, vector<4096x32xf32>
    %lt3A_103 = arith.constant 2 : i32
    %lt3A_104 = vector.broadcast %lt3A_103 : i32 to vector<4096x1xi32>
    %lt3A_105 = arith.cmpi slt, %transpose3A_56, %lt3A_104 : vector<4096x1xi32>
    %broadcast_in_dim3A_106 = vector.shape_cast %lt3A_105 : vector<4096x1xi1> to vector<4096x1xi1>
    %broadcast_in_dim3A_107 = vector.broadcast %broadcast_in_dim3A_106 : vector<4096x1xi1> to vector<4096x32xi1>
    %select_n3A_108 = arith.select %broadcast_in_dim3A_107, %select_n3A_94, %select_n3A_102 : vector<4096x32xi1>, vector<4096x32xf32>
    %get3A_109 = arith.constant 0 : index
    %get3A_110 = arith.constant 0 : index
    %get3A_111 = vector.load %arg7[%get3A_109, %get3A_110] : memref<32x256xf32, #tpu.memory_space<vmem>>, vector<32x256xf32>
    %dot_general3A = arith.constant dense<0.000000e+00> : vector<4096x256xf32>
    %dot_general3A_112 = tpu.matmul %select_n3A_27, %get3A_111, %dot_general3A {dimension_numbers = #tpu.dot_dimension_numbers<[1], [0], [0], [1], [0, 0, 1, 1], [], []>, transpose_lhs_hint = false} : vector<4096x32xf32>, vector<32x256xf32>, vector<4096x256xf32> -> vector<4096x256xf32>
    %get3A_113 = arith.constant 0 : index
    %get3A_114 = arith.constant 0 : index
    %get3A_115 = vector.load %arg8[%get3A_113, %get3A_114] : memref<32x256xf32, #tpu.memory_space<vmem>>, vector<32x256xf32>
    %dot_general3A_116 = arith.constant dense<0.000000e+00> : vector<4096x256xf32>
    %dot_general3A_117 = tpu.matmul %select_n3A_49, %get3A_115, %dot_general3A_116 {dimension_numbers = #tpu.dot_dimension_numbers<[1], [0], [0], [1], [0, 0, 1, 1], [], []>, transpose_lhs_hint = false} : vector<4096x32xf32>, vector<32x256xf32>, vector<4096x256xf32> -> vector<4096x256xf32>
    %add3A = arith.addf %dot_general3A_112, %dot_general3A_117 : vector<4096x256xf32>
    %get3A_118 = arith.constant 0 : index
    %get3A_119 = arith.constant 0 : index
    %get3A_120 = vector.load %arg9[%get3A_118, %get3A_119] : memref<32x256xf32, #tpu.memory_space<vmem>>, vector<32x256xf32>
    %dot_general3A_121 = arith.constant dense<0.000000e+00> : vector<4096x256xf32>
    %dot_general3A_122 = tpu.matmul %select_n3A_86, %get3A_120, %dot_general3A_121 {dimension_numbers = #tpu.dot_dimension_numbers<[1], [0], [0], [1], [0, 0, 1, 1], [], []>, transpose_lhs_hint = false} : vector<4096x32xf32>, vector<32x256xf32>, vector<4096x256xf32> -> vector<4096x256xf32>
    %add3A_123 = arith.addf %add3A, %dot_general3A_122 : vector<4096x256xf32>
    %get3A_124 = arith.constant 0 : index
    %get3A_125 = arith.constant 0 : index
    %get3A_126 = vector.load %arg10[%get3A_124, %get3A_125] : memref<32x256xf32, #tpu.memory_space<vmem>>, vector<32x256xf32>
    %dot_general3A_127 = arith.constant dense<0.000000e+00> : vector<4096x256xf32>
    %dot_general3A_128 = tpu.matmul %select_n3A_108, %get3A_126, %dot_general3A_127 {dimension_numbers = #tpu.dot_dimension_numbers<[1], [0], [0], [1], [0, 0, 1, 1], [], []>, transpose_lhs_hint = false} : vector<4096x32xf32>, vector<32x256xf32>, vector<4096x256xf32> -> vector<4096x256xf32>
    %add3A_129 = arith.addf %add3A_123, %dot_general3A_128 : vector<4096x256xf32>
    %get3A_130 = arith.constant 0 : index
    %get3A_131 = arith.constant 0 : index
    %get3A_132 = vector.load %arg5[%get3A_130, %get3A_131] : memref<4096x64xf32, #tpu.memory_space<vmem>>, vector<4096x64xf32>
    %get3A_133 = arith.constant 0 : index
    %get3A_134 = arith.constant 0 : index
    %get3A_135 = vector.load %arg11[%get3A_133, %get3A_134] : memref<64x256xf32, #tpu.memory_space<vmem>>, vector<64x256xf32>
    %dot_general3A_136 = arith.constant dense<0.000000e+00> : vector<4096x256xf32>
    %dot_general3A_137 = tpu.matmul %get3A_132, %get3A_135, %dot_general3A_136 {dimension_numbers = #tpu.dot_dimension_numbers<[1], [0], [0], [1], [0, 0, 1, 1], [], []>, transpose_lhs_hint = false} : vector<4096x64xf32>, vector<64x256xf32>, vector<4096x256xf32> -> vector<4096x256xf32>
    %add3A_138 = arith.addf %add3A_129, %dot_general3A_137 : vector<4096x256xf32>
    %get3A_139 = arith.constant 0 : index
    %get3A_140 = arith.constant 0 : index
    %get3A_141 = vector.load %arg6[%get3A_139, %get3A_140] : memref<4096x32xf32, #tpu.memory_space<vmem>>, vector<4096x32xf32>
    %get3A_142 = arith.constant 0 : index
    %get3A_143 = arith.constant 0 : index
    %get3A_144 = vector.load %arg12[%get3A_142, %get3A_143] : memref<32x256xf32, #tpu.memory_space<vmem>>, vector<32x256xf32>
    %dot_general3A_145 = arith.constant dense<0.000000e+00> : vector<4096x256xf32>
    %dot_general3A_146 = tpu.matmul %get3A_141, %get3A_144, %dot_general3A_145 {dimension_numbers = #tpu.dot_dimension_numbers<[1], [0], [0], [1], [0, 0, 1, 1], [], []>, transpose_lhs_hint = false} : vector<4096x32xf32>, vector<32x256xf32>, vector<4096x256xf32> -> vector<4096x256xf32>
    %add3A_147 = arith.addf %add3A_138, %dot_general3A_146 : vector<4096x256xf32>
    %get3A_148 = arith.constant 0 : index
    %get3A_149 = arith.constant 0 : index
    %get3A_150 = vector.load %arg13[%get3A_148, %get3A_149] : memref<1x256xf32, #tpu.memory_space<vmem>>, vector<1x256xf32>
    %add3A_151 = vector.broadcast %get3A_150 : vector<1x256xf32> to vector<4096x256xf32>
    %add3A_152 = arith.addf %add3A_147, %add3A_151 : vector<4096x256xf32>
    %max3A = arith.constant 0.000000e+00 : f32
    %max3A_153 = vector.broadcast %max3A : f32 to vector<4096x256xf32>
    %max3A_154 = arith.maximumf %add3A_152, %max3A_153 : vector<4096x256xf32>
    %get3A_155 = arith.constant 0 : index
    %get3A_156 = arith.constant 0 : index
    %get3A_157 = vector.load %arg14[%get3A_155, %get3A_156] : memref<256x128xf32, #tpu.memory_space<vmem>>, vector<256x128xf32>
    %dot_general3A_158 = arith.constant dense<0.000000e+00> : vector<4096x128xf32>
    %dot_general3A_159 = tpu.matmul %max3A_154, %get3A_157, %dot_general3A_158 {dimension_numbers = #tpu.dot_dimension_numbers<[1], [0], [0], [1], [0, 0, 1, 1], [], []>, transpose_lhs_hint = false} : vector<4096x256xf32>, vector<256x128xf32>, vector<4096x128xf32> -> vector<4096x128xf32>
    %get3A_160 = arith.constant 0 : index
    %get3A_161 = arith.constant 0 : index
    %get3A_162 = vector.load %arg15[%get3A_160, %get3A_161] : memref<1x128xf32, #tpu.memory_space<vmem>>, vector<1x128xf32>
    %add3A_163 = vector.broadcast %get3A_162 : vector<1x128xf32> to vector<4096x128xf32>
    %add3A_164 = arith.addf %dot_general3A_159, %add3A_163 : vector<4096x128xf32>
    %max3A_165 = arith.constant 0.000000e+00 : f32
    %max3A_166 = vector.broadcast %max3A_165 : f32 to vector<4096x128xf32>
    %max3A_167 = arith.maximumf %add3A_164, %max3A_166 : vector<4096x128xf32>
    %get3A_168 = arith.constant 0 : index
    %get3A_169 = arith.constant 0 : index
    %get3A_170 = vector.load %arg16[%get3A_168, %get3A_169] : memref<128x64xf32, #tpu.memory_space<vmem>>, vector<128x64xf32>
    %dot_general3A_171 = arith.constant dense<0.000000e+00> : vector<4096x64xf32>
    %dot_general3A_172 = tpu.matmul %max3A_167, %get3A_170, %dot_general3A_171 {dimension_numbers = #tpu.dot_dimension_numbers<[1], [0], [0], [1], [0, 0, 1, 1], [], []>, transpose_lhs_hint = false} : vector<4096x128xf32>, vector<128x64xf32>, vector<4096x64xf32> -> vector<4096x64xf32>
    %get3A_173 = arith.constant 0 : index
    %get3A_174 = arith.constant 0 : index
    %get3A_175 = vector.load %arg17[%get3A_173, %get3A_174] : memref<1x64xf32, #tpu.memory_space<vmem>>, vector<1x64xf32>
    %add3A_176 = vector.broadcast %get3A_175 : vector<1x64xf32> to vector<4096x64xf32>
    %add3A_177 = arith.addf %dot_general3A_172, %add3A_176 : vector<4096x64xf32>
    %max3A_178 = arith.constant 0.000000e+00 : f32
    %max3A_179 = vector.broadcast %max3A_178 : f32 to vector<4096x64xf32>
    %max3A_180 = arith.maximumf %add3A_177, %max3A_179 : vector<4096x64xf32>
    %get3A_181 = arith.constant 0 : index
    %get3A_182 = arith.constant 0 : index
    %get3A_183 = vector.load %arg18[%get3A_181, %get3A_182] : memref<64x1xf32, #tpu.memory_space<vmem>>, vector<64x1xf32>
    %dot_general3A_184 = arith.constant dense<0.000000e+00> : vector<4096x1xf32>
    %dot_general3A_185 = tpu.matmul %max3A_180, %get3A_183, %dot_general3A_184 {dimension_numbers = #tpu.dot_dimension_numbers<[1], [0], [0], [1], [0, 0, 1, 1], [], []>, transpose_lhs_hint = false} : vector<4096x64xf32>, vector<64x1xf32>, vector<4096x1xf32> -> vector<4096x1xf32>
    %get3A_186 = arith.constant 0 : index
    %get3A_187 = arith.constant 0 : index
    %get3A_188 = vector.load %arg19[%get3A_186, %get3A_187] : memref<1x1xf32, #tpu.memory_space<vmem>>, vector<1x1xf32>
    %add3A_189 = vector.broadcast %get3A_188 : vector<1x1xf32> to vector<4096x1xf32>
    %add3A_190 = arith.addf %dot_general3A_185, %add3A_189 : vector<4096x1xf32>
    %logistic3A = arith.negf %add3A_190 : vector<4096x1xf32>
    %logistic3A_191 = math.exp %logistic3A : vector<4096x1xf32>
    %logistic3A_192 = arith.constant 1.000000e+00 : f32
    %logistic3A_193 = vector.broadcast %logistic3A_192 : f32 to vector<4096x1xf32>
    %logistic3A_194 = arith.addf %logistic3A_193, %logistic3A_191 : vector<4096x1xf32>
    %logistic3A_195 = arith.divf %logistic3A_193, %logistic3A_194 : vector<4096x1xf32>
    %swap3A = arith.constant 0 : index
    %swap3A_196 = arith.constant 0 : index
    %swap3A_197 = vector.load %arg20[%swap3A, %swap3A_196] : memref<4096x1xf32, #tpu.memory_space<vmem>>, vector<4096x1xf32>
    tpu.vector_store %arg20[%swap3A, %swap3A_196], %logistic3A_195 {strides = array<i32>} : memref<4096x1xf32, #tpu.memory_space<vmem>>, vector<4096x1xf32>,
    return
  }
  func.func @transform_0(%arg0: i32) -> (i32, i32) {
    %c0_i32 = arith.constant 0 : i32
    %c0_i32_0 = arith.constant 0 : i32
    return %arg0, %c0_i32 : i32, i32
  }
  func.func @transform_1(%arg0: i32) -> (i32, i32) {
    %c0_i32 = arith.constant 0 : i32
    %c0_i32_0 = arith.constant 0 : i32
    return %arg0, %c0_i32 : i32, i32
  }
  func.func @transform_2(%arg0: i32) -> (i32, i32) {
    %c0_i32 = arith.constant 0 : i32
    %c0_i32_0 = arith.constant 0 : i32
    return %c0_i32, %arg0 : i32, i32
  }
  func.func @transform_3(%arg0: i32) -> (i32, i32) {
    %c0_i32 = arith.constant 0 : i32
    %c0_i32_0 = arith.constant 0 : i32
    return %c0_i32, %arg0 : i32, i32
  }
  func.func @transform_4(%arg0: i32) -> (i32, i32) {
    %c0_i32 = arith.constant 0 : i32
    %c0_i32_0 = arith.constant 0 : i32
    return %arg0, %c0_i32 : i32, i32
  }
  func.func @transform_5(%arg0: i32) -> (i32, i32) {
    %c0_i32 = arith.constant 0 : i32
    %c0_i32_0 = arith.constant 0 : i32
    return %arg0, %c0_i32 : i32, i32
  }
  func.func @transform_6(%arg0: i32) -> (i32, i32) {
    %c0_i32 = arith.constant 0 : i32
    %c0_i32_0 = arith.constant 0 : i32
    %c0_i32_1 = arith.constant 0 : i32
    return %c0_i32, %c0_i32_0 : i32, i32
  }
  func.func @transform_7(%arg0: i32) -> (i32, i32) {
    %c0_i32 = arith.constant 0 : i32
    %c0_i32_0 = arith.constant 0 : i32
    %c0_i32_1 = arith.constant 0 : i32
    return %c0_i32, %c0_i32_0 : i32, i32
  }
  func.func @transform_8(%arg0: i32) -> (i32, i32) {
    %c0_i32 = arith.constant 0 : i32
    %c0_i32_0 = arith.constant 0 : i32
    %c0_i32_1 = arith.constant 0 : i32
    return %c0_i32, %c0_i32_0 : i32, i32
  }
  func.func @transform_9(%arg0: i32) -> (i32, i32) {
    %c0_i32 = arith.constant 0 : i32
    %c0_i32_0 = arith.constant 0 : i32
    %c0_i32_1 = arith.constant 0 : i32
    return %c0_i32, %c0_i32_0 : i32, i32
  }
  func.func @transform_10(%arg0: i32) -> (i32, i32) {
    %c0_i32 = arith.constant 0 : i32
    %c0_i32_0 = arith.constant 0 : i32
    %c0_i32_1 = arith.constant 0 : i32
    return %c0_i32, %c0_i32_0 : i32, i32
  }
  func.func @transform_11(%arg0: i32) -> (i32, i32) {
    %c0_i32 = arith.constant 0 : i32
    %c0_i32_0 = arith.constant 0 : i32
    %c0_i32_1 = arith.constant 0 : i32
    return %c0_i32, %c0_i32_0 : i32, i32
  }
  func.func @transform_12(%arg0: i32) -> (i32, i32) {
    %c0_i32 = arith.constant 0 : i32
    %c0_i32_0 = arith.constant 0 : i32
    %c0_i32_1 = arith.constant 0 : i32
    return %c0_i32, %c0_i32_0 : i32, i32
  }
  func.func @transform_13(%arg0: i32) -> (i32, i32) {
    %c0_i32 = arith.constant 0 : i32
    %c0_i32_0 = arith.constant 0 : i32
    %c0_i32_1 = arith.constant 0 : i32
    return %c0_i32, %c0_i32_0 : i32, i32
  }
  func.func @transform_14(%arg0: i32) -> (i32, i32) {
    %c0_i32 = arith.constant 0 : i32
    %c0_i32_0 = arith.constant 0 : i32
    %c0_i32_1 = arith.constant 0 : i32
    return %c0_i32, %c0_i32_0 : i32, i32
  }
  func.func @transform_15(%arg0: i32) -> (i32, i32) {
    %c0_i32 = arith.constant 0 : i32
    %c0_i32_0 = arith.constant 0 : i32
    %c0_i32_1 = arith.constant 0 : i32
    return %c0_i32, %c0_i32_0 : i32, i32
  }
  func.func @transform_16(%arg0: i32) -> (i32, i32) {
    %c0_i32 = arith.constant 0 : i32
    %c0_i32_0 = arith.constant 0 : i32
    %c0_i32_1 = arith.constant 0 : i32
    return %c0_i32, %c0_i32_0 : i32, i32
  }
  func.func @transform_17(%arg0: i32) -> (i32, i32) {
    %c0_i32 = arith.constant 0 : i32
    %c0_i32_0 = arith.constant 0 : i32
    %c0_i32_1 = arith.constant 0 : i32
    return %c0_i32, %c0_i32_0 : i32, i32
  }
  func.func @transform_18(%arg0: i32) -> (i32, i32) {
    %c0_i32 = arith.constant 0 : i32
    %c0_i32_0 = arith.constant 0 : i32
    %c0_i32_1 = arith.constant 0 : i32
    return %c0_i32, %c0_i32_0 : i32, i32
  }
  func.func @transform_19(%arg0: i32) -> (i32, i32) {
    %c0_i32 = arith.constant 0 : i32
    %c0_i32_0 = arith.constant 0 : i32
    return %arg0, %c0_i32 : i32, i32
  }
}

</mosaic_0001>

<sc_bundles>
// kernel: kernel.10.cloned.1.call-start
scs
__scs_entry_jumppad:
0x0: {  	(pc) =	sbr.rel $0x88, $3  }
0x1: {  	(tag) =	ssettag $0x0;
	lr =	simm.s32 $0x1  }
0x2: {  	[smem:$0x3F8D] =	sst lr;
	_ =	strace $0xD0000000  }
0x3: {  	_ = 	snop  }
0x4: {  	_ = 	snop  }
0x5: {  	_ = 	snop  }
0x6: {  	_ = 	snop  }
0x7: {  	_ = 	snop  }
__scs_overlays_trampoline_lowered:
0x8: {  	[smem:$0x3F9C] =	sst s0  }
0x9: {  	[smem:$0x3F9D] =	sst s1  }
0xa: {  	[smem:$0x3F9E] =	sst s2  }
0xb: {  	[smem:$0x3F9F] =	sst s3  }
0xc: {  	[smem:$0x3FA0] =	sst s4  }
0xd: {  	[smem:$0x3FA1] =	sst s5  }
0xe: {  	[smem:$0x3FA2] =	sst s6  }
0xf: {  	[smem:$0x3FA3] =	sst s7  }
0x10: {  	[smem:$0x3FA4] =	sst s8  }
0x11: {  	[smem:$0x3FA5] =	sst s9;
	s0 =	simm.s32 @!p0 $0x0  }
0x12: {  	s1 =	sld [smem:$0x3F8B];
	s0 =	simm.s32 @p0 $0x1  }
0x13: {  	[smem:$0x3FA6] =	sst s0;
	s0 =	simm.s32 @!p1 $0x0  }
0x14: {  	s2 =	sld [smem:$0x3F8A];
	s0 =	simm.s32 @p1 $0x1  }
0x15: {  	[smem:$0x3FA7] =	sst s0;
	s0 =	simm.s32 @!p2 $0x0  }
0x16: {  	s3 =	sld [smem:$0x3FDB];
	s0 =	simm.s32 @p2 $0x1  }
0x17: {  	s4 =	simm.s32 $0x1BF5;
	[smem:$0x3FA9] =	sst s0  }
0x18: {  	s0 =	sld [smem:$0x3F8C];
	_ =	swait.ge [sflag:s4], $0x0  }
0x19: {  	s7 =	sld [smem:$0x3F8D]  }
0x1a: {  	s8 =	sadd.s32 $0xFFFFE003, lr  }
0x1b: {  	s9 =	sadd.s32 $0xFFFFFEF7, lr;
	s5 =	simm.s32 $0xFFFFFFFF;
	p2 =	slt.u32 s8, $0xFFFFF086  }
0x1c: {  	p1 =	slt.u32 s9, $0xF7A;
	s5 =	simm.s32 @!p2 $0x0  }
0x1d: {  	s5 =	simm.s32 @p1 $0x1;
	p0 =	seq.s32 s7, s2  }
0x1e: {  	s7 =	smul.u32 @!p0 $0xF7A, s2;
	p2 =	seq.s32 @!p0 s5, $0x0  }
0x1f: {  	s9 =	smul.u32 $0xF7A, s1;
	s8 =	simm.s32 @!p0 $0x1BF5;
	p2 =	por !p2, p0  }
0x20: {  	[sflag:s8] =	ssyncset.s32 @!p0 $0xFFFFF086;
	s6 =	sadd.s32 @!p0 s3, s7;
	s7 =	simm.s32 @!p0 $0x108  }
0x21: {  	s3 =	sadd.s32 s3, s9;
	s6 =	sadd.s32 @!p0 $0x88, s6;
	s7 =	simm.s32 @p2 $0x1082  }
0x22: {  	[simem:s7], [sflag:s8] =	dma.local @!p0 [hbm:s6], $0xF7A  }
0x23: {  	s9 =	sor.u32 $0xD0000000, s2;
	s6 =	simm.s32 $0x108;
	_ =	swait.ge @!p0 [sflag:s8], $0x0  }
0x24: {  	s3 =	sadd.s32 $0x88, s3;
	s6 =	simm.s32 @!p1 $0x1082;
	[sflag:s4] =	ssyncset.s32 $0xFFFFF086  }
0x25: {  	[simem:s6], [sflag:s4] =	dma.local [hbm:s3], $0xF7A  }
0x26: {  	[smem:$0x3F8D] =	sst s1;
	(tag) =	ssettag s2;
	_ =	strace s9  }
0x27: {  	s1 =	sld [smem:$0x3F9D]  }
0x28: {  	s2 =	sld [smem:$0x3F9E]  }
0x29: {  	s4 =	sld [smem:$0x3FA0]  }
0x2a: {  	p0 =	seq.s32 s5, $0x0;
	s5 =	sld [smem:$0x3FA1]  }
0x2b: {  	s6 =	sld [smem:$0x3FA2]  }
0x2c: {  	s7 =	sld [smem:$0x3FA3]  }
0x2d: {  	s3 =	simm.s32 $0x108;
	s8 =	sld [smem:$0x3FA4]  }
0x2e: {  	s3 =	simm.s32 @!p0 $0x1082;
	s9 =	sld [smem:$0x3FA5]  }
0x2f: {  	lr =	sadd.s32 s0, s3;
	s0 =	sld [smem:$0x3F9C]  }
0x30: {  	s3 =	sld [smem:$0x3F9F]  }
0x31: {  	[smem:$0x3FA8] =	sst s10  }
0x32: {  	s10 =	sld [smem:$0x3FA6];
	_ =	sdelay $0x3  }
0x33: {  	p0 =	seq.s32 s10, $0x1;
	s10 =	sld [smem:$0x3FA8];
	_ =	sdelay $0x3  }
0x34: {  	[smem:$0x3FA8] =	sst s10  }
0x35: {  	s10 =	sld [smem:$0x3FA7];
	_ =	sdelay $0x3  }
0x36: {  	p1 =	seq.s32 s10, $0x1;
	s10 =	sld [smem:$0x3FA8];
	_ =	sdelay $0x3  }
0x37: {  	[smem:$0x3FA8] =	sst s10  }
0x38: {  	s10 =	sld [smem:$0x3FA9]  }
0x39: {  	_ = 	snop;
	(pc) =	sbr.ind lr, $3  }
0x3a: {  	_ = 	snop  }
0x3b: {  	_ = 	snop  }
0x3c: {  	p2 =	seq.s32 s10, $0x1;
	s10 =	sld [smem:$0x3FA8]  }
0x3d: {  	_ =	shalt  }
0x3e: {  	_ =	shalt  }
0x3f: {  	_ =	shalt  }
0x40: {  	_ =	shalt  }
0x41: {  	_ =	shalt  }
0x42: {  	_ =	shalt  }
0x43: {  	_ =	shalt  }
0x44: {  	_ =	shalt  }
0x45: {  	_ =	shalt  }
0x46: {  	_ =	shalt  }
0x47: {  	_ =	shalt  }
0x48: {  	_ =	shalt  }
0x49: {  	_ =	shalt  }
0x4a: {  	_ =	shalt  }
0x4b: {  	_ =	shalt  }
0x4c: {  	_ =	shalt  }
0x4d: {  	_ =	shalt  }
0x4e: {  	_ =	shalt  }
0x4f: {  	_ =	shalt  }
0x50: {  	_ =	shalt  }
0x51: {  	_ =	shalt  }
0x52: {  	_ =	shalt  }
0x53: {  	_ =	shalt  }
0x54: {  	_ =	shalt  }
0x55: {  	_ =	shalt  }
0x56: {  	_ =	shalt  }
0x57: {  	_ =	shalt  }
0x58: {  	_ =	shalt  }
0x59: {  	_ =	shalt  }
0x5a: {  	_ =	shalt  }
0x5b: {  	_ =	shalt  }
0x5c: {  	_ =	shalt  }
0x5d: {  	_ =	shalt  }
0x5e: {  	_ =	shalt  }
0x5f: {  	_ =	shalt  }
0x60: {  	_ =	shalt  }
0x61: {  	_ =	shalt  }
0x62: {  	_ =	shalt  }
0x63: {  	_ =	shalt  }
0x64: {  	_ =	shalt  }
0x65: {  	_ =	shalt  }
0x66: {  	_ =	shalt  }
0x67: {  	_ =	shalt  }
0x68: {  	_ =	shalt  }
0x69: {  	_ =	shalt  }
0x6a: {  	_ =	shalt  }
0x6b: {  	_ =	shalt  }
0x6c: {  	_ =	shalt  }
0x6d: {  	_ =	shalt  }
0x6e: {  	_ =	shalt  }
0x6f: {  	_ =	shalt  }
0x70: {  	_ =	shalt  }
0x71: {  	_ =	shalt  }
0x72: {  	_ =	shalt  }
0x73: {  	_ =	shalt  }
0x74: {  	_ =	shalt  }
0x75: {  	_ =	shalt  }
0x76: {  	_ =	shalt  }
0x77: {  	_ =	shalt  }
0x78: {  	_ =	shalt  }
0x79: {  	_ =	shalt  }
0x7a: {  	_ =	shalt  }
0x7b: {  	_ =	shalt  }
0x7c: {  	_ =	shalt  }
0x7d: {  	_ =	shalt  }
0x7e: {  	_ =	shalt  }
0x7f: {  	_ =	shalt  }
0x80: {  	_ =	shalt  }
0x81: {  	_ =	shalt  }
0x82: {  	_ =	shalt  }
0x83: {  	_ =	shalt  }
0x84: {  	_ =	shalt  }
0x85: {  	_ =	shalt  }
0x86: {  	_ =	shalt  }
0x87: {  	_ =	shalt  }
.Lfunc_end0:
.L_simem_size_0:
called_computation.1_lowered:
.L_overlay_start_0:
0x88: {  	s2 =	sld [smem:$0x3FD9]  }
0x89: {  	s3 =	sld [smem:$0x3FFE];
	_ =	sdelay $0x1  }
0x8a: {  	s1 =	srdreg.scid  }
0x8b: {  	s0 =	sand.u32 $0x1, s1  }
0x8c: {  	s16 =	sshll.u32 s0, $0xA;
	s2 =	sadd.s32 s3, s2  }
0x8d: {  	s2 =	sadd.s32 s2, s16  }
0x8e: {  	[smem:$0x3FB4] =	sst s2  }
0x8f: {  	_ = 	snop  }
0x90: {  	(tm) =	ssettm $0x1  }
0x91: {  	s17 =	sld [smem:$0x3FFB];
	_ =	sdelay $0x3  }
0x92: {  	_ =	strace s17  }
0x93: {  	s2 =	sld [smem:$0x3FFC];
	_ =	sdelay $0x3  }
0x94: {  	_ =	strace s2  }
0x95: {  	s2 =	sld [smem:$0x3FFD];
	_ =	sdelay $0x3  }
0x96: {  	_ =	strace s2  }
0x97: {  	_ =	strace $0x8FFFFFFF  }
0x98: {  	s18 =	sld [smem:$0x3FDB];
	_ =	sdelay $0x1  }
0x99: {  	s19 =	simm.s32 $_scs_section_size  }
0x9a: {  	s4 =	simm.s32 $_size__tile_overlayer_lowered;
	s5 =	simm.s32 $_tile_overlayer_lowered  }
0x9b: {  	s22 =	simm.s32 $0x1BFF;
	s21 =	sshll.u32 s5, $0x1;
	s2 =	sadd.s32 s19, s18  }
0x9c: {  	s6 =	simm.s32 $0x0;
	s20 =	sshll.u32 s4, $0x1;
	s4 =	sadd.s32 s21, s2  }
0x9d: {  	[timem:s6], [sflag:s22] =	dma.local [hbm:s4], s20  }
0x9e: {  	_ =	swait.ge [sflag:s22], s20  }
0x9f: {  	s3 =	ssub.s32 $0x0, s20;
	[sflag:s22] =	ssyncset.done $0x0  }
0xa0: {  	[sflag:s22] =	ssyncadd.s32 s3;
	_ =	sdelay $0x1  }
0xa1: {  	s23 =	simm.s32 $0x1B8B  }
0xa2: {  	_ =	swait.ge [sflag:s23], $0x1  }
0xa3: {  	[sflag:s23] =	ssyncset.done $0x0  }
0xa4: {  	s25 =	simm.s32 $0x1B8E;
	s24 =	sld [smem:$0x3FFE];
	[sflag:s23] =	ssyncadd.s32 $0xFFFFFFFF  }
0xa5: {  	s26 =	simm.s32 $execute0_lowered;
	[smem:$0x3FD2] =	sst s25  }
0xa6: {  	s4 =	sshll.u32 s26, $0x1;
	_ =	strace $0x80000046;
	[dreg:$0x1] =	wrdreg $0xFFFFFFFF  }
0xa7: {  	s28 =	simm.s32 $_size_execute0_lowered;
	s2 =	sadd.s32 s2, s4;
	[dreg:$0x0] =	wrdreg $0x0  }
0xa8: {  	s4 =	sshll.u32 s28, $0x1;
	[dreg:$0x2] =	wrdreg s2  }
0xa9: {  	[dreg:$0x3] =	wrdreg s4  }
0xaa: {  	[dreg:$0x4] =	wrdreg $0xC0  }
0xab: {  	_ =	task [dreg:s6], $0x5FFFF  }
0xac: {  	[dreg:$0x1] =	wrdreg $0xFFFFFFFF  }
0xad: {  	[dreg:$0x0] =	wrdreg $0x60  }
0xae: {  	[dreg:$0x2] =	wrdreg s24  }
0xaf: {  	[dreg:$0x3] =	wrdreg $0xA  }
0xb0: {  	_ =	task.clear_ibuf [dreg:s6], $0x4FFFF;
	_ =	strace $0x90000046  }
0xb1: {  	s29 =	simm.s32 $0xA;
	_ =	strace $0x80000048  }
0xb2: {  	_ =	swait.ge [sflag:s29], $0x1  }
0xb3: {  	[sflag:s29] =	ssyncadd.s32 $0xFFFFFFFF  }
0xb4: {  	_ =	strace $0x90000048  }
0xb5: {  	_ =	sfence  }
0xb6: {  	s30 =	sld [smem:$0x0];
	_ =	sdelay $0x2  }
0xb7: {  	s31 =	sshll.u32 s1, $0xD;
	s1 =	sshrl.u32 s1, $0x2  }
0xb8: {  	s3 =	sand.u32 $0x4000, s31;
	s1 =	sadd.s32 s1, s30  }
0xb9: {  	s0 =	sor.u32 s3, s0;
	s1 =	sshll.u32 s1, $0x11  }
0xba: {  	s0 =	sor.u32 s1, s0  }
0xbb: {  	s0 =	sadd.s32 $0x8F2B, s0  }
0xbc: {  	[sflag:s0] =	ssyncadd.remote.s32 $0x1  }
0xbd: {  	_ =	sfence.sel $0xFFFF  }
0xbe: {  	[dreg:$0x0] =	wrdreg $0xFFFFFFFF;
	(pc) =	sbr.abs _section_cstart, $3  }
0xbf: {  	[dreg:$0x1] =	wrdreg $0xFFFFFFFF  }
0xc0: {  	_ =	task.clear_ibuf [dreg:s6], $0x2FFFF;
	_ =	strace $0x9FFFFFFF  }
0xc1: {  	(tm) =	ssettm $0x7FFFFFFF  }
tec
execute0_lowered:
.L_overlay_start_1:
0x0: {  	(tag) =	ssettag $0x1  }
0x1: {  	s1 =	srdreg.scid  }
0x2: {  	s0 =	stileid.u32;
	s6 =	sand.u32 $0x1, s1  }
0x3: {  	s8 =	rddreg [dreg:$0x0];
	s30 =	sshll.u32 s0, $0xA;
	s2 =	sshll.u32 s6, $0x9  }
0x4: {  	s7 =	simm.s32 $0x1;
	s1 =	rddreg [dreg:$0x1];
	s9 =	sor.u32 s2, s30  }
0x5: {  	s5 =	sadd.s32 $0x3E00, s8;
	s2 =	simm.s32 $0x0;
	s3 =	sshrl.u32 s9, $0x3  }
0x6: {  	s10 =	ssub.s32 $0x2, s6;
	[smem:$0x7FF] =	sst s2;
	s3 =	sadd.s32 s3, s8  }
0x7: {  	_ =	strace $0x80000047;
	s4 =	sadd.s32 $0x3E3E00, s3;
	s3 =	simm.s32 $0x2  }
0x8: {  	[tilespmem:s2], [sflag:$0x2] =	stream.linear.gather [hbm4b:s4+s2], $0x200, $0x38;
	[tilespmem:$0x10200] =	vst v63  }
0x9: {  	s6 =	simm.s32 $0x200;
	s11 =	sshrl.u32 s10, $0x1;
	_ =	swait.ge [sflag:s3], $0x200  }
0xa: {  	s9 =	sshll.u32 s9, $0x4;
	s31 =	ssub.s32 s10, s11;
	[sflag:s3] =	ssyncset.done $0x0  }
0xb: {  	s8 =	sadd.s32 s9, s8;
	s9 =	smax.u32 s31, $0x1;
	[sflag:s3] =	ssyncadd.s32 $0xFFFFFE00  }
0xc: {  	[tilespmem:s6], [sflag:$0x1] =	stream.indirect.gather [hbm4b:s5+s6], $0x80, s2, s6, $0xb8;
	[tilespmem:$0x10200] =	vst v63  }
0xd: {  	p0 =	sne.s32 s9, $0x1;
	_ =	swait.ge [sflag:s7], $0x10000  }
.Ltmp0:
0xe: {  	[sflag:s7] =	ssyncset.done $0x0;
	(pc) =	sbr.rel @!p0 .LBB2_2-.Ltmp0, $4  }
0xf: {  	s8 =	sadd.s32 $0x3E4600, s8;
	[sflag:s7] =	ssyncadd.s32 $0xFFFF0000  }
0x10: {  	[hbm4b:s8+s2] =	stream.linear.scatter [tilespmem:s6], [sflag:$0x2], $0x10000, $0x38;
	[tilespmem:$0x10200] =	vst v63  }
0x11: {  	_ =	swait.ge [sflag:s3], $0x10000  }
0x12: {  	s9 =	sadd.s32 $0xFFFFFFFF, s9;
	[sflag:s3] =	ssyncset.done $0x0  }
.LBB2_1:
0x13: {  	p0 =	sne.s32 s9, $0x1;
	s9 =	sadd.s32 $0xFFFFFFFF, s9;
	[sflag:s3] =	ssyncadd.s32 $0xFFFF0000  }
0x14: {  	[tilespmem:s2], [sflag:$0x2] =	stream.linear.gather [hbm4b:s4+s2], $0x200, $0x38;
	[tilespmem:$0x10200] =	vst v63  }
0x15: {  	_ =	swait.ge [sflag:s3], $0x200  }
0x16: {  	[sflag:s3] =	ssyncset.done $0x0  }
0x17: {  	[sflag:s3] =	ssyncadd.s32 $0xFFFFFE00  }
0x18: {  	[tilespmem:s6], [sflag:$0x1] =	stream.indirect.gather [hbm4b:s5+s6], $0x80, s2, s6, $0xb8;
	[tilespmem:$0x10200] =	vst v63  }
0x19: {  	_ =	swait.ge [sflag:s7], $0x10000  }
.Ltmp1:
0x1a: {  	[sflag:s7] =	ssyncset.done $0x0;
	(pc) =	sbr.rel @p0 .LBB2_1-.Ltmp1, $4  }
0x1b: {  	[sflag:s7] =	ssyncadd.s32 $0xFFFF0000  }
0x1c: {  	[hbm4b:s8+s2] =	stream.linear.scatter [tilespmem:s6], [sflag:$0x2], $0x10000, $0x38;
	[tilespmem:$0x10200] =	vst v63  }
0x1d: {  	_ =	swait.ge [sflag:s3], $0x10000  }
0x1e: {  	[sflag:s3] =	ssyncset.done $0x0  }
.LBB2_2:
0x1f: {  	[sflag:s3] =	ssyncadd.s32 $0xFFFF0000  }
0x20: {  	_ =	sfence.sel $0x180000  }
0x21: {  	[bflag:$0x0] =	sbarrier.arrive $0xFFFF  }
0x22: {  	p0 =	sne.s32 s0, $0x0;
	_ =	strace $0x90000047  }
0x23: {  	s0 =	sadd.s32 @!p0 $0x100000, s1;
	[bflag:$0x2] =	sbarrier.arrive $0xFFFF  }
0x24: {  	[sflag:s0] =	ssyncadd.tile.s32 @!p0 $0x1;
	_ =	shalt  }
.Lfunc_end2:
_tile_overlayer_lowered:
.L_overlay_start_2:
0x25: {  	(tag) =	ssettag $0x2  }
0x26: {  	s0 =	rddreg [dreg:$0x0];
	s2 =	stileid.u32  }
0x27: {  	s1 =	rddreg [dreg:$0x1];
	p0 =	sne.s32 s2, $0x0  }
0x28: {  	s3 =	rddreg [dreg:$0x2];
	[bflag:$0x3] =	sbarrier.arrive $0xFFFF;
	s2 =	simm.s32 @!p0 $0x1C02  }
0x29: {  	[timem:s3], [sflag:s2] =	dma.local @!p0 [hbm:s0], s1  }
0x2a: {  	s0 =	simm.s32 @!p0 $0x2  }
0x2b: {  	_ =	swait.ge @!p0 [sflag:s0], s1  }
0x2c: {  	s1 =	ssub.s32 @!p0 $0x0, s1;
	[sflag:s0] =	ssyncset.done @!p0 $0x0  }
0x2d: {  	[sflag:s0] =	ssyncadd.s32 @!p0 s1  }
0x2e: {  	[bflag:$0x3] =	sbarrier.arrive $0xFFFF  }
0x2f: {  	_ =	shalt  }

// kernel: kernel.7.cloned.1.call-start
scs
__scs_entry_jumppad:
0x0: {  	(pc) =	sbr.rel $0x88, $3  }
0x1: {  	(tag) =	ssettag $0x0;
	lr =	simm.s32 $0x1  }
0x2: {  	[smem:$0x3F8D] =	sst lr;
	_ =	strace $0xD0000000  }
0x3: {  	_ = 	snop  }
0x4: {  	_ = 	snop  }
0x5: {  	_ = 	snop  }
0x6: {  	_ = 	snop  }
0x7: {  	_ = 	snop  }
__scs_overlays_trampoline_lowered:
0x8: {  	[smem:$0x3F9C] =	sst s0  }
0x9: {  	[smem:$0x3F9D] =	sst s1  }
0xa: {  	[smem:$0x3F9E] =	sst s2  }
0xb: {  	[smem:$0x3F9F] =	sst s3  }
0xc: {  	[smem:$0x3FA0] =	sst s4  }
0xd: {  	[smem:$0x3FA1] =	sst s5  }
0xe: {  	[smem:$0x3FA2] =	sst s6  }
0xf: {  	[smem:$0x3FA3] =	sst s7  }
0x10: {  	[smem:$0x3FA4] =	sst s8  }
0x11: {  	[smem:$0x3FA5] =	sst s9;
	s0 =	simm.s32 @!p0 $0x0  }
0x12: {  	s1 =	sld [smem:$0x3F8B];
	s0 =	simm.s32 @p0 $0x1  }
0x13: {  	[smem:$0x3FA6] =	sst s0;
	s0 =	simm.s32 @!p1 $0x0  }
0x14: {  	s2 =	sld [smem:$0x3F8A];
	s0 =	simm.s32 @p1 $0x1  }
0x15: {  	[smem:$0x3FA7] =	sst s0;
	s0 =	simm.s32 @!p2 $0x0  }
0x16: {  	s3 =	sld [smem:$0x3FDB];
	s0 =	simm.s32 @p2 $0x1  }
0x17: {  	s4 =	simm.s32 $0x1BF5;
	[smem:$0x3FA9] =	sst s0  }
0x18: {  	s0 =	sld [smem:$0x3F8C];
	_ =	swait.ge [sflag:s4], $0x0  }
0x19: {  	s7 =	sld [smem:$0x3F8D]  }
0x1a: {  	s8 =	sadd.s32 $0xFFFFE003, lr  }
0x1b: {  	s9 =	sadd.s32 $0xFFFFFEF7, lr;
	s5 =	simm.s32 $0xFFFFFFFF;
	p2 =	slt.u32 s8, $0xFFFFF086  }
0x1c: {  	p1 =	slt.u32 s9, $0xF7A;
	s5 =	simm.s32 @!p2 $0x0  }
0x1d: {  	s5 =	simm.s32 @p1 $0x1;
	p0 =	seq.s32 s7, s2  }
0x1e: {  	s7 =	smul.u32 @!p0 $0xF7A, s2;
	p2 =	seq.s32 @!p0 s5, $0x0  }
0x1f: {  	s9 =	smul.u32 $0xF7A, s1;
	s8 =	simm.s32 @!p0 $0x1BF5;
	p2 =	por !p2, p0  }
0x20: {  	[sflag:s8] =	ssyncset.s32 @!p0 $0xFFFFF086;
	s6 =	sadd.s32 @!p0 s3, s7;
	s7 =	simm.s32 @!p0 $0x108  }
0x21: {  	s3 =	sadd.s32 s3, s9;
	s6 =	sadd.s32 @!p0 $0x88, s6;
	s7 =	simm.s32 @p2 $0x1082  }
0x22: {  	[simem:s7], [sflag:s8] =	dma.local @!p0 [hbm:s6], $0xF7A  }
0x23: {  	s9 =	sor.u32 $0xD0000000, s2;
	s6 =	simm.s32 $0x108;
	_ =	swait.ge @!p0 [sflag:s8], $0x0  }
0x24: {  	s3 =	sadd.s32 $0x88, s3;
	s6 =	simm.s32 @!p1 $0x1082;
	[sflag:s4] =	ssyncset.s32 $0xFFFFF086  }
0x25: {  	[simem:s6], [sflag:s4] =	dma.local [hbm:s3], $0xF7A  }
0x26: {  	[smem:$0x3F8D] =	sst s1;
	(tag) =	ssettag s2;
	_ =	strace s9  }
0x27: {  	s1 =	sld [smem:$0x3F9D]  }
0x28: {  	s2 =	sld [smem:$0x3F9E]  }
0x29: {  	s4 =	sld [smem:$0x3FA0]  }
0x2a: {  	p0 =	seq.s32 s5, $0x0;
	s5 =	sld [smem:$0x3FA1]  }
0x2b: {  	s6 =	sld [smem:$0x3FA2]  }
0x2c: {  	s7 =	sld [smem:$0x3FA3]  }
0x2d: {  	s3 =	simm.s32 $0x108;
	s8 =	sld [smem:$0x3FA4]  }
0x2e: {  	s3 =	simm.s32 @!p0 $0x1082;
	s9 =	sld [smem:$0x3FA5]  }
0x2f: {  	lr =	sadd.s32 s0, s3;
	s0 =	sld [smem:$0x3F9C]  }
0x30: {  	s3 =	sld [smem:$0x3F9F]  }
0x31: {  	[smem:$0x3FA8] =	sst s10  }
0x32: {  	s10 =	sld [smem:$0x3FA6];
	_ =	sdelay $0x3  }
0x33: {  	p0 =	seq.s32 s10, $0x1;
	s10 =	sld [smem:$0x3FA8];
	_ =	sdelay $0x3  }
0x34: {  	[smem:$0x3FA8] =	sst s10  }
0x35: {  	s10 =	sld [smem:$0x3FA7];
	_ =	sdelay $0x3  }
0x36: {  	p1 =	seq.s32 s10, $0x1;
	s10 =	sld [smem:$0x3FA8];
	_ =	sdelay $0x3  }
0x37: {  	[smem:$0x3FA8] =	sst s10  }
0x38: {  	s10 =	sld [smem:$0x3FA9]  }
0x39: {  	_ = 	snop;
	(pc) =	sbr.ind lr, $3  }
0x3a: {  	_ = 	snop  }
0x3b: {  	_ = 	snop  }
0x3c: {  	p2 =	seq.s32 s10, $0x1;
	s10 =	sld [smem:$0x3FA8]  }
0x3d: {  	_ =	shalt  }
0x3e: {  	_ =	shalt  }
0x3f: {  	_ =	shalt  }
0x40: {  	_ =	shalt  }
0x41: {  	_ =	shalt  }
0x42: {  	_ =	shalt  }
0x43: {  	_ =	shalt  }
0x44: {  	_ =	shalt  }
0x45: {  	_ =	shalt  }
0x46: {  	_ =	shalt  }
0x47: {  	_ =	shalt  }
0x48: {  	_ =	shalt  }
0x49: {  	_ =	shalt  }
0x4a: {  	_ =	shalt  }
0x4b: {  	_ =	shalt  }
0x4c: {  	_ =	shalt  }
0x4d: {  	_ =	shalt  }
0x4e: {  	_ =	shalt  }
0x4f: {  	_ =	shalt  }
0x50: {  	_ =	shalt  }
0x51: {  	_ =	shalt  }
0x52: {  	_ =	shalt  }
0x53: {  	_ =	shalt  }
0x54: {  	_ =	shalt  }
0x55: {  	_ =	shalt  }
0x56: {  	_ =	shalt  }
0x57: {  	_ =	shalt  }
0x58: {  	_ =	shalt  }
0x59: {  	_ =	shalt  }
0x5a: {  	_ =	shalt  }
0x5b: {  	_ =	shalt  }
0x5c: {  	_ =	shalt  }
0x5d: {  	_ =	shalt  }
0x5e: {  	_ =	shalt  }
0x5f: {  	_ =	shalt  }
0x60: {  	_ =	shalt  }
0x61: {  	_ =	shalt  }
0x62: {  	_ =	shalt  }
0x63: {  	_ =	shalt  }
0x64: {  	_ =	shalt  }
0x65: {  	_ =	shalt  }
0x66: {  	_ =	shalt  }
0x67: {  	_ =	shalt  }
0x68: {  	_ =	shalt  }
0x69: {  	_ =	shalt  }
0x6a: {  	_ =	shalt  }
0x6b: {  	_ =	shalt  }
0x6c: {  	_ =	shalt  }
0x6d: {  	_ =	shalt  }
0x6e: {  	_ =	shalt  }
0x6f: {  	_ =	shalt  }
0x70: {  	_ =	shalt  }
0x71: {  	_ =	shalt  }
0x72: {  	_ =	shalt  }
0x73: {  	_ =	shalt  }
0x74: {  	_ =	shalt  }
0x75: {  	_ =	shalt  }
0x76: {  	_ =	shalt  }
0x77: {  	_ =	shalt  }
0x78: {  	_ =	shalt  }
0x79: {  	_ =	shalt  }
0x7a: {  	_ =	shalt  }
0x7b: {  	_ =	shalt  }
0x7c: {  	_ =	shalt  }
0x7d: {  	_ =	shalt  }
0x7e: {  	_ =	shalt  }
0x7f: {  	_ =	shalt  }
0x80: {  	_ =	shalt  }
0x81: {  	_ =	shalt  }
0x82: {  	_ =	shalt  }
0x83: {  	_ =	shalt  }
0x84: {  	_ =	shalt  }
0x85: {  	_ =	shalt  }
0x86: {  	_ =	shalt  }
0x87: {  	_ =	shalt  }
.Lfunc_end0:
.L_simem_size_0:
called_computation_lowered:
.L_overlay_start_0:
0x88: {  	s2 =	sld [smem:$0x3FD9]  }
0x89: {  	s3 =	sld [smem:$0x3FFE];
	_ =	sdelay $0x1  }
0x8a: {  	s1 =	srdreg.scid  }
0x8b: {  	s0 =	sand.u32 $0x1, s1  }
0x8c: {  	s17 =	sshll.u32 s0, $0xA;
	s2 =	sadd.s32 s3, s2  }
0x8d: {  	s2 =	sadd.s32 s2, s17  }
0x8e: {  	[smem:$0x3FB4] =	sst s2  }
0x8f: {  	_ = 	snop  }
0x90: {  	(tm) =	ssettm $0x1  }
0x91: {  	s18 =	sld [smem:$0x3FFB];
	_ =	sdelay $0x3  }
0x92: {  	_ =	strace s18  }
0x93: {  	s2 =	sld [smem:$0x3FFC];
	_ =	sdelay $0x3  }
0x94: {  	_ =	strace s2  }
0x95: {  	s2 =	sld [smem:$0x3FFD];
	_ =	sdelay $0x3  }
0x96: {  	_ =	strace s2  }
0x97: {  	_ =	strace $0x8FFFFFFF  }
0x98: {  	s19 =	sld [smem:$0x3FDB];
	_ =	sdelay $0x1  }
0x99: {  	s20 =	simm.s32 $_scs_section_size  }
0x9a: {  	s4 =	simm.s32 $_size__tile_overlayer_lowered;
	s5 =	simm.s32 $_tile_overlayer_lowered  }
0x9b: {  	s6 =	simm.s32 $0x1BFF;
	s21 =	sshll.u32 s5, $0x1;
	s3 =	sadd.s32 s20, s19  }
0x9c: {  	s22 =	simm.s32 $0x0;
	s4 =	sshll.u32 s4, $0x1;
	s5 =	sadd.s32 s21, s3  }
0x9d: {  	[timem:s22], [sflag:s6] =	dma.local [hbm:s5], s4  }
0x9e: {  	_ =	swait.ge [sflag:s6], s4  }
0x9f: {  	s4 =	ssub.s32 $0x0, s4;
	[sflag:s6] =	ssyncset.done $0x0  }
0xa0: {  	[sflag:s6] =	ssyncadd.s32 s4;
	_ =	sdelay $0x1  }
0xa1: {  	s23 =	simm.s32 $0x1B8B  }
0xa2: {  	_ =	swait.ge [sflag:s23], $0x1  }
0xa3: {  	[sflag:s23] =	ssyncset.done $0x0  }
0xa4: {  	[sflag:s23] =	ssyncadd.s32 $0xFFFFFFFF  }
0xa5: {  	s4 =	sld [smem:$0x0]  }
0xa6: {  	s5 =	sand.u32 $0xFFFFFFFE, s1  }
0xa7: {  	p0 =	sne.s32 s1, s5  }
0xa8: {  	s5 =	sshll.u32 @p0 s5, $0xE  }
0xa9: {  	s5 =	sadd.s32 @p0 $0x11B8D, s5;
	s6 =	sshll.u32 @p0 s4, $0x11  }
0xaa: {  	s5 =	sor.u32 @p0 s6, s5  }
0xab: {  	[sflag:s5] =	ssyncadd.remote.s32 @p0 $0x1;
	_ =	sdelay $0x1  }
0xac: {  	s5 =	simm.s32 @p0 $0x1B8D  }
0xad: {  	_ =	swait.eq @p0 [sflag:s5], $0x1  }
0xae: {  	[sflag:s5] =	ssyncadd.s32 @p0 $0xFFFFFFFF  }
0xaf: {  	s6 =	sshll.u32 @!p0 s1, $0xE  }
0xb0: {  	s6 =	sor.u32 @!p0 $0x4000, s6;
	s5 =	simm.s32 @!p0 $0x1B8D  }
0xb1: {  	s4 =	sshll.u32 @!p0 s4, $0x11;
	s6 =	sadd.s32 @!p0 $0x11B8D, s6;
	_ =	swait.eq @!p0 [sflag:s5], $0x1  }
0xb2: {  	s4 =	sor.u32 @!p0 s4, s6;
	[sflag:s5] =	ssyncadd.s32 @!p0 $0xFFFFFFFF  }
0xb3: {  	s25 =	simm.s32 $0x1B8E;
	s24 =	sld [smem:$0x3FFE];
	[sflag:s4] =	ssyncadd.remote.s32 @!p0 $0x1  }
0xb4: {  	s26 =	simm.s32 $execute0_lowered;
	[smem:$0x3FD2] =	sst s25  }
0xb5: {  	s5 =	sshll.u32 s26, $0x1;
	_ =	strace $0x80000049;
	[dreg:$0x1] =	wrdreg $0xFFFFFFFF  }
0xb6: {  	s28 =	simm.s32 $_size_execute0_lowered;
	s3 =	sadd.s32 s3, s5;
	[dreg:$0x0] =	wrdreg $0x0  }
0xb7: {  	s5 =	sshll.u32 s28, $0x1;
	[dreg:$0x2] =	wrdreg s3  }
0xb8: {  	[dreg:$0x3] =	wrdreg s5  }
0xb9: {  	[dreg:$0x4] =	wrdreg $0xC0  }
0xba: {  	_ =	task [dreg:s22], $0x5FFFF  }
0xbb: {  	[dreg:$0x1] =	wrdreg $0xFFFFFFFF  }
0xbc: {  	[dreg:$0x0] =	wrdreg $0x60  }
0xbd: {  	[dreg:$0x2] =	wrdreg s24  }
0xbe: {  	[dreg:$0x3] =	wrdreg $0x9  }
0xbf: {  	_ =	task.clear_ibuf [dreg:s22], $0x4FFFF;
	_ =	strace $0x90000049  }
0xc0: {  	s29 =	simm.s32 $0x9;
	_ =	strace $0x8000004B  }
0xc1: {  	_ =	swait.ge [sflag:s29], $0x1  }
0xc2: {  	[sflag:s29] =	ssyncadd.s32 $0xFFFFFFFF  }
0xc3: {  	_ =	strace $0x9000004B  }
0xc4: {  	_ =	sfence  }
0xc5: {  	s30 =	sld [smem:$0x0];
	_ =	sdelay $0x2  }
0xc6: {  	s31 =	sshll.u32 s1, $0xD;
	s1 =	sshrl.u32 s1, $0x2  }
0xc7: {  	s4 =	sand.u32 $0x4000, s31;
	s1 =	sadd.s32 s1, s30  }
0xc8: {  	s0 =	sor.u32 s4, s0;
	s1 =	sshll.u32 s1, $0x11  }
0xc9: {  	s0 =	sor.u32 s1, s0  }
0xca: {  	s0 =	sadd.s32 $0x8F2B, s0  }
0xcb: {  	[sflag:s0] =	ssyncadd.remote.s32 $0x1  }
0xcc: {  	_ =	sfence.sel $0xFFFF  }
0xcd: {  	[dreg:$0x0] =	wrdreg $0xFFFFFFFF;
	(pc) =	sbr.abs _section_cstart, $3  }
0xce: {  	[dreg:$0x1] =	wrdreg $0xFFFFFFFF  }
0xcf: {  	_ =	task.clear_ibuf [dreg:s22], $0x2FFFF;
	_ =	strace $0x9FFFFFFF  }
0xd0: {  	(tm) =	ssettm $0x7FFFFFFF  }
0xd1: {  	_ =	shalt  }
tec
execute0_lowered:
.L_overlay_start_1:
0x0: {  	(tag) =	ssettag $0x1  }
0x1: {  	s1 =	srdreg.scid  }
0x2: {  	s0 =	stileid.u32;
	s6 =	sand.u32 $0x1, s1  }
0x3: {  	s8 =	rddreg [dreg:$0x0];
	s30 =	sshll.u32 s0, $0xA;
	s2 =	sshll.u32 s6, $0x9  }
0x4: {  	s7 =	simm.s32 $0x1;
	s1 =	rddreg [dreg:$0x1];
	s9 =	sor.u32 s2, s30  }
0x5: {  	s5 =	sadd.s32 $0x424600, s8;
	s2 =	simm.s32 $0x0;
	s3 =	sshrl.u32 s9, $0x3  }
0x6: {  	s10 =	ssub.s32 $0x2, s6;
	[smem:$0x7FF] =	sst s2;
	s3 =	sadd.s32 s3, s8  }
0x7: {  	_ =	strace $0x8000004A;
	s4 =	sadd.s32 $0x494600, s3;
	s3 =	simm.s32 $0x2  }
0x8: {  	[tilespmem:s2], [sflag:$0x2] =	stream.linear.gather [hbm4b:s4+s2], $0x200, $0x38;
	[tilespmem:$0x10200] =	vst v63  }
0x9: {  	s6 =	simm.s32 $0x200;
	s11 =	sshrl.u32 s10, $0x1;
	_ =	swait.ge [sflag:s3], $0x200  }
0xa: {  	s9 =	sshll.u32 s9, $0x4;
	s31 =	ssub.s32 s10, s11;
	[sflag:s3] =	ssyncset.done $0x0  }
0xb: {  	s8 =	sadd.s32 s9, s8;
	s9 =	smax.u32 s31, $0x1;
	[sflag:s3] =	ssyncadd.s32 $0xFFFFFE00  }
0xc: {  	[tilespmem:s6], [sflag:$0x1] =	stream.indirect.gather [hbm4b:s5+s6], $0x80, s2, s6, $0xb8;
	[tilespmem:$0x10200] =	vst v63  }
0xd: {  	p0 =	sne.s32 s9, $0x1;
	_ =	swait.ge [sflag:s7], $0x10000  }
.Ltmp0:
0xe: {  	[sflag:s7] =	ssyncset.done $0x0;
	(pc) =	sbr.rel @!p0 .LBB2_2-.Ltmp0, $4  }
0xf: {  	s8 =	sadd.s32 $0x494E00, s8;
	[sflag:s7] =	ssyncadd.s32 $0xFFFF0000  }
0x10: {  	[hbm4b:s8+s2] =	stream.linear.scatter [tilespmem:s6], [sflag:$0x2], $0x10000, $0x38;
	[tilespmem:$0x10200] =	vst v63  }
0x11: {  	_ =	swait.ge [sflag:s3], $0x10000  }
0x12: {  	s9 =	sadd.s32 $0xFFFFFFFF, s9;
	[sflag:s3] =	ssyncset.done $0x0  }
.LBB2_1:
0x13: {  	p0 =	sne.s32 s9, $0x1;
	s9 =	sadd.s32 $0xFFFFFFFF, s9;
	[sflag:s3] =	ssyncadd.s32 $0xFFFF0000  }
0x14: {  	[tilespmem:s2], [sflag:$0x2] =	stream.linear.gather [hbm4b:s4+s2], $0x200, $0x38;
	[tilespmem:$0x10200] =	vst v63  }
0x15: {  	_ =	swait.ge [sflag:s3], $0x200  }
0x16: {  	[sflag:s3] =	ssyncset.done $0x0  }
0x17: {  	[sflag:s3] =	ssyncadd.s32 $0xFFFFFE00  }
0x18: {  	[tilespmem:s6], [sflag:$0x1] =	stream.indirect.gather [hbm4b:s5+s6], $0x80, s2, s6, $0xb8;
	[tilespmem:$0x10200] =	vst v63  }
0x19: {  	_ =	swait.ge [sflag:s7], $0x10000  }
.Ltmp1:
0x1a: {  	[sflag:s7] =	ssyncset.done $0x0;
	(pc) =	sbr.rel @p0 .LBB2_1-.Ltmp1, $4  }
0x1b: {  	[sflag:s7] =	ssyncadd.s32 $0xFFFF0000  }
0x1c: {  	[hbm4b:s8+s2] =	stream.linear.scatter [tilespmem:s6], [sflag:$0x2], $0x10000, $0x38;
	[tilespmem:$0x10200] =	vst v63  }
0x1d: {  	_ =	swait.ge [sflag:s3], $0x10000  }
0x1e: {  	[sflag:s3] =	ssyncset.done $0x0  }
.LBB2_2:
0x1f: {  	[sflag:s3] =	ssyncadd.s32 $0xFFFF0000  }
0x20: {  	_ =	sfence.sel $0x180000  }
0x21: {  	[bflag:$0x0] =	sbarrier.arrive $0xFFFF  }
0x22: {  	p0 =	sne.s32 s0, $0x0;
	_ =	strace $0x9000004A  }
0x23: {  	s0 =	sadd.s32 @!p0 $0x100000, s1;
	[bflag:$0x2] =	sbarrier.arrive $0xFFFF  }
0x24: {  	[sflag:s0] =	ssyncadd.tile.s32 @!p0 $0x1;
	_ =	shalt  }
.Lfunc_end2:
_tile_overlayer_lowered:
.L_overlay_start_2:
0x25: {  	(tag) =	ssettag $0x2  }
0x26: {  	s0 =	rddreg [dreg:$0x0];
	s2 =	stileid.u32  }
0x27: {  	s1 =	rddreg [dreg:$0x1];
	p0 =	sne.s32 s2, $0x0  }
0x28: {  	s3 =	rddreg [dreg:$0x2];
	[bflag:$0x3] =	sbarrier.arrive $0xFFFF;
	s2 =	simm.s32 @!p0 $0x1C02  }
0x29: {  	[timem:s3], [sflag:s2] =	dma.local @!p0 [hbm:s0], s1  }
0x2a: {  	s0 =	simm.s32 @!p0 $0x2  }
0x2b: {  	_ =	swait.ge @!p0 [sflag:s0], s1  }
0x2c: {  	s1 =	ssub.s32 @!p0 $0x0, s1;
	[sflag:s0] =	ssyncset.done @!p0 $0x0  }
0x2d: {  	[sflag:s0] =	ssyncadd.s32 @!p0 s1  }
0x2e: {  	[bflag:$0x3] =	sbarrier.arrive $0xFFFF  }
0x2f: {  	_ =	shalt  }

</sc_bundles>
